<compile_context>
chip_gen: v7x
topology: tpu7x:2x2x1
jax: 0.10.2.dev20260603
libtpu: 0.0.44.dev20260713+nightly
codegen_flags: <defaults>
</compile_context>

<pallas_src>
import functools

import jax
import jax.numpy as jnp
from jax import lax
from jax.experimental import pallas as pl
from jax.experimental.pallas import tpu as pltpu
from jax.experimental.pallas import tpu_sc as plsc

N = 10000
E = 320000
D = 128
EPS = 1e-5

NC = 2
NS = 16
CK = 100
EPT = E // (NC * NS)
NCHUNK = EPT // CK
CKA = 125
NCHA = EPT // CKA
NODE_CH = 640
NODE_LAST = N - NODE_CH * (NS - 1)
NP = NODE_CH * NS

_mesh = plsc.VectorSubcoreMesh(
    core_axis_name="c", subcore_axis_name="s", num_cores=NC, num_subcores=NS
)


@functools.partial(
    pl.kernel,
    out_type=jax.ShapeDtypeStruct((NC, 1, NP), jnp.float32),
    mesh=_mesh,
    scratch_types=[
        pltpu.VMEM((NCHUNK, CK), jnp.int32),
        pltpu.VMEM((CK,), jnp.float32),
        pltpu.VMEM((NODE_CH,), jnp.float32),
        pltpu.VMEM_SHARED((NP,), jnp.float32),
    ],
)
def _deg_sc(dst_hbm, degp_hbm, dstbuf, ones, zb, hist):
    c = lax.axis_index("c")
    s = lax.axis_index("s")
    for i in range(NODE_CH // 16):
        zb[pl.ds(16 * i, 16)] = jnp.zeros((16,), jnp.float32)
    for i in range(CK // 16):
        ones[pl.ds(16 * i, 16)] = jnp.ones((16,), jnp.float32)
    if CK % 16:
        ones[pl.ds(CK - 16, 16)] = jnp.ones((16,), jnp.float32)

    pltpu.sync_copy(zb, hist.at[pl.ds(s * NODE_CH, NODE_CH)])
    pltpu.sync_copy(dst_hbm.at[c * NS + s], dstbuf)
    plsc.subcore_barrier()

    def body(j, carry):
        pltpu.sync_copy(ones, hist.at[dstbuf.at[j]], add=True)
        return carry

    lax.fori_loop(0, NCHUNK, body, 0)
    plsc.subcore_barrier()

    pltpu.sync_copy(
        hist.at[pl.ds(s * NODE_CH, NODE_CH)],
        degp_hbm.at[c, 0, pl.ds(s * NODE_CH, NODE_CH)],
    )


@functools.partial(
    pl.kernel,
    out_type=jax.ShapeDtypeStruct((NC, N, D), jnp.float32),
    mesh=_mesh,
    scratch_types=[
        pltpu.VMEM((2, NCHA // 2, CKA), jnp.int32),
        pltpu.VMEM((2, CKA, D), jnp.float32),
        pltpu.VMEM_SHARED((N, D), jnp.float32),
        pltpu.SemaphoreType.DMA,
        pltpu.SemaphoreType.DMA,
    ],
)
def _accum_sc(g_hbm, edge_hbm, acc_hbm, ebuf, rows, accum, sem0, sem1):
    c = lax.axis_index("c")
    s = lax.axis_index("s")

    def zbody(i, carry):
        r = i // 8
        l = i % 8
        rows[0, r, pl.ds(16 * l, 16)] = jnp.zeros((16,), jnp.float32)
        return carry

    lax.fori_loop(0, CKA * 8, zbody, 0)

    base = s * NODE_CH
    for k in range(NODE_CH // CKA):
        pltpu.sync_copy(rows.at[0], accum.at[pl.ds(base + CKA * k, CKA)])
    pltpu.sync_copy(
        rows.at[0, pl.ds(0, 16)],
        accum.at[pl.ds(base + NODE_CH - 16, 16)],
    )

    wid = c * NS + s
    plsc.subcore_barrier()

    HC = NCHA // 2

    for half in range(2):
        pltpu.sync_copy(edge_hbm.at[wid, half], ebuf)
        pltpu.async_copy(g_hbm.at[ebuf.at[0, 0]], rows.at[0], sem0)

        def body(jj, carry):
            j = 2 * jj
            pltpu.async_copy(g_hbm.at[ebuf.at[0, j + 1]], rows.at[1], sem1)
            pltpu.make_async_copy(g_hbm.at[ebuf.at[0, j]], rows.at[0], sem0).wait()
            pltpu.sync_copy(rows.at[0], accum.at[ebuf.at[1, j]], add=True)

            @pl.when(jj < HC // 2 - 1)
            def _():
                pltpu.async_copy(g_hbm.at[ebuf.at[0, j + 2]], rows.at[0], sem0)

            pltpu.make_async_copy(g_hbm.at[ebuf.at[0, j + 1]], rows.at[1], sem1).wait()
            pltpu.sync_copy(rows.at[1], accum.at[ebuf.at[1, j + 1]], add=True)
            return carry

        lax.fori_loop(0, HC // 2, body, 0)

    plsc.subcore_barrier()

    @pl.when(s < NS - 1)
    def _():
        pltpu.sync_copy(
            accum.at[pl.ds(s * NODE_CH, NODE_CH)],
            acc_hbm.at[c, pl.ds(s * NODE_CH, NODE_CH)],
        )

    @pl.when(s == NS - 1)
    def _():
        pltpu.sync_copy(
            accum.at[pl.ds((NS - 1) * NODE_CH, NODE_LAST)],
            acc_hbm.at[c, pl.ds((NS - 1) * NODE_CH, NODE_LAST)],
        )


BR = 2000


def _dense1_body(x_ref, w_ref, degp_ref, g_ref, dinv_ref):
    deg = degp_ref[0] + degp_ref[1] + 1.0
    dinv = lax.rsqrt(deg)
    h = jnp.dot(
        x_ref[...], w_ref[...],
        preferred_element_type=jnp.float32, precision=lax.Precision.HIGHEST,
    )
    g_ref[...] = h * dinv
    dinv_ref[...] = dinv


_dense1 = pl.pallas_call(
    _dense1_body,
    grid=(N // BR,),
    in_specs=[
        pl.BlockSpec((BR, D), lambda i: (i, 0)),
        pl.BlockSpec((D, D), lambda i: (0, 0)),
        pl.BlockSpec((NC, BR, 1), lambda i: (0, i, 0)),
    ],
    out_specs=[
        pl.BlockSpec((BR, D), lambda i: (i, 0)),
        pl.BlockSpec((BR, 1), lambda i: (i, 0)),
    ],
    out_shape=[
        jax.ShapeDtypeStruct((N, D), jnp.float32),
        jax.ShapeDtypeStruct((N, 1), jnp.float32),
    ],
)


def _dense2_body(acc_ref, g_ref, dinv_ref, b_ref, gam_ref, bet_ref, x_ref, o_ref):
    pre = (acc_ref[0] + acc_ref[1] + g_ref[...]) * dinv_ref[...] + b_ref[...]
    mu = jnp.mean(pre, axis=-1, keepdims=True)
    ctr = pre - mu
    var = jnp.mean(ctr * ctr, axis=-1, keepdims=True)
    xh = ctr * lax.rsqrt(var + EPS)
    y = xh * gam_ref[...] + bet_ref[...] + x_ref[...]
    o_ref[...] = jnp.maximum(y, 0.0)


_dense2 = pl.pallas_call(
    _dense2_body,
    grid=(N // BR,),
    in_specs=[
        pl.BlockSpec((NC, BR, D), lambda i: (0, i, 0)),
        pl.BlockSpec((BR, D), lambda i: (i, 0)),
        pl.BlockSpec((BR, 1), lambda i: (i, 0)),
        pl.BlockSpec((1, D), lambda i: (0, 0)),
        pl.BlockSpec((1, D), lambda i: (0, 0)),
        pl.BlockSpec((1, D), lambda i: (0, 0)),
        pl.BlockSpec((BR, D), lambda i: (i, 0)),
    ],
    out_specs=pl.BlockSpec((BR, D), lambda i: (i, 0)),
    out_shape=jax.ShapeDtypeStruct((N, D), jnp.float32),
)


def kernel(x, edge_index, W, b, gamma, beta):
    dst_rs = edge_index[1].reshape(NC * NS, NCHUNK, CK)
    edge_rs = jnp.transpose(
        edge_index.reshape(2, NC * NS, 2, NCHA // 2, CKA), (1, 2, 0, 3, 4)
    )
    degp = _deg_sc(dst_rs)
    g, dinv = _dense1(x, W, degp[:, 0, :N].reshape(NC, N, 1))
    acc = _accum_sc(g, edge_rs)
    out = _dense2(
        acc, g, dinv,
        b.reshape(1, D), gamma.reshape(1, D), beta.reshape(1, D), x,
    )
    return out

# --- scband reference (transcript-rebuilt; emitter-appended) ---
"""Pipeline reference for scband-multipole-graph-layer-17927193494233 (READ-ONLY COPY).

The authoritative reference and input builder live on the scoring server;
editing this copy changes nothing except your own understanding.
"""

import jax, jax.numpy as jnp
import numpy as np

N = 10000
E = 320000
D = 128
EPS = 1e-5


def setup_inputs(seed: int = 0) -> dict:
    key = jax.random.key(seed)
    k1, k2, k3 = jax.random.split(key, 3)
    x = jax.random.normal(k1, (N, D), dtype=jnp.float32)
    edge_index = jax.random.randint(k2, (2, E), 0, N, dtype=jnp.int32)
    # GCNConv params (glorot-ish weight, zero bias)
    W = jax.random.normal(k3, (D, D), dtype=jnp.float32) * (1.0 / np.sqrt(D))
    b = jnp.zeros((D,), dtype=jnp.float32)
    # LayerNorm params
    gamma = jnp.ones((D,), dtype=jnp.float32)
    beta = jnp.zeros((D,), dtype=jnp.float32)
    return {"x": x, "edge_index": edge_index, "W": W, "b": b, "gamma": gamma, "beta": beta}


def _gcn_conv(x, edge_index, W, b):
    n = x.shape[0]
    src = edge_index[0]
    dst = edge_index[1]
    # add self loops (PyG GCNConv default add_self_loops=True)
    loop = jnp.arange(n, dtype=src.dtype)
    src = jnp.concatenate([src, loop])
    dst = jnp.concatenate([dst, loop])
    # symmetric normalization: deg computed on dst (col) with unit edge weights
    deg = jnp.zeros((n,), dtype=x.dtype).at[dst].add(1.0)
    deg_inv_sqrt = jnp.where(deg > 0, jax.lax.rsqrt(jnp.maximum(deg, 1e-12)), 0.0)
    norm = deg_inv_sqrt[src] * deg_inv_sqrt[dst]
    h = x @ W
    msg = h[src] * norm[:, None]
    out = jnp.zeros_like(h).at[dst].add(msg)
    return out + b


def _layer_norm(x, gamma, beta):
    mu = jnp.mean(x, axis=-1, keepdims=True)
    var = jnp.mean((x - mu) ** 2, axis=-1, keepdims=True)
    xhat = (x - mu) * jax.lax.rsqrt(var + EPS)
    return xhat * gamma + beta


def reference(x, edge_index, W, b, gamma, beta):
    x_res = x
    h = _gcn_conv(x, edge_index, W, b)
    h = _layer_norm(h, gamma, beta)
    return jax.nn.relu(h + x_res)

if __name__ == "__main__":
    import jax
    _d = setup_inputs()
    print(jax.jit(kernel)(*tuple(_d.values())))

</pallas_src>

<mosaic_0001>
#map = affine_map<(d0, d1) -> (0, 0, 0)>
module attributes {stable_mosaic.version = 14 : i64} {
  func.func @_deg_sc(%arg0: i32, %arg1: i32, %arg2: memref<32x100x100xi32, #tpu.memory_space<hbm>>, %arg3: memref<2x1x10240xf32, #tpu.memory_space<hbm>>, %arg4: memref<100x100xi32, #tpu.memory_space<vmem>>, %arg5: memref<100xf32, #tpu.memory_space<vmem>>, %arg6: memref<640xf32, #tpu.memory_space<vmem>>, %arg7: memref<10240xf32, #tpu.memory_space<vmem_shared>>) attributes {dimension_semantics = [#tpu.dimension_semantics<core_parallel>, #tpu.dimension_semantics<subcore_parallel>], iteration_bounds = array<i64: 2, 16>, scalar_prefetch = 0 : i64, scratch_operands = 4 : i64, tpu.core_type = #tpu.core_type<sc_vector_subcore>, window_params = [{transform_indices = #map}, {transform_indices = #map}]} {
    %broadcast_in_dim3A = arith.constant 0.000000e+00 : f32
    %broadcast_in_dim3A_0 = vector.broadcast %broadcast_in_dim3A : f32 to vector<16xf32>
    %swap3A = arith.constant 0 : index
    %swap3A_1 = tpu.vector_load %arg6[%swap3A] {strides = array<i32>} : memref<640xf32, #tpu.memory_space<vmem>>, vector<16xf32>,
    %swap3A_2 = vector.shape_cast %swap3A_1 : vector<16xf32> to vector<16xf32>
    %swap3A_3 = vector.shape_cast %broadcast_in_dim3A_0 : vector<16xf32> to vector<16xf32>
    tpu.vector_store %arg6[%swap3A], %swap3A_3 {strides = array<i32>} : memref<640xf32, #tpu.memory_space<vmem>>, vector<16xf32>,
    %broadcast_in_dim3A_4 = arith.constant 0.000000e+00 : f32
    %broadcast_in_dim3A_5 = vector.broadcast %broadcast_in_dim3A_4 : f32 to vector<16xf32>
    %swap3A_6 = arith.constant 16 : index
    %swap3A_7 = tpu.vector_load %arg6[%swap3A_6] {strides = array<i32>} : memref<640xf32, #tpu.memory_space<vmem>>, vector<16xf32>,
    %swap3A_8 = vector.shape_cast %swap3A_7 : vector<16xf32> to vector<16xf32>
    %swap3A_9 = vector.shape_cast %broadcast_in_dim3A_5 : vector<16xf32> to vector<16xf32>
    tpu.vector_store %arg6[%swap3A_6], %swap3A_9 {strides = array<i32>} : memref<640xf32, #tpu.memory_space<vmem>>, vector<16xf32>,
    %broadcast_in_dim3A_10 = arith.constant 0.000000e+00 : f32
    %broadcast_in_dim3A_11 = vector.broadcast %broadcast_in_dim3A_10 : f32 to vector<16xf32>
    %swap3A_12 = arith.constant 32 : index
    %swap3A_13 = tpu.vector_load %arg6[%swap3A_12] {strides = array<i32>} : memref<640xf32, #tpu.memory_space<vmem>>, vector<16xf32>,
    %swap3A_14 = vector.shape_cast %swap3A_13 : vector<16xf32> to vector<16xf32>
    %swap3A_15 = vector.shape_cast %broadcast_in_dim3A_11 : vector<16xf32> to vector<16xf32>
    tpu.vector_store %arg6[%swap3A_12], %swap3A_15 {strides = array<i32>} : memref<640xf32, #tpu.memory_space<vmem>>, vector<16xf32>,
    %broadcast_in_dim3A_16 = arith.constant 0.000000e+00 : f32
    %broadcast_in_dim3A_17 = vector.broadcast %broadcast_in_dim3A_16 : f32 to vector<16xf32>
    %swap3A_18 = arith.constant 48 : index
    %swap3A_19 = tpu.vector_load %arg6[%swap3A_18] {strides = array<i32>} : memref<640xf32, #tpu.memory_space<vmem>>, vector<16xf32>,
    %swap3A_20 = vector.shape_cast %swap3A_19 : vector<16xf32> to vector<16xf32>
    %swap3A_21 = vector.shape_cast %broadcast_in_dim3A_17 : vector<16xf32> to vector<16xf32>
    tpu.vector_store %arg6[%swap3A_18], %swap3A_21 {strides = array<i32>} : memref<640xf32, #tpu.memory_space<vmem>>, vector<16xf32>,
    %broadcast_in_dim3A_22 = arith.constant 0.000000e+00 : f32
    %broadcast_in_dim3A_23 = vector.broadcast %broadcast_in_dim3A_22 : f32 to vector<16xf32>
    %swap3A_24 = arith.constant 64 : index
    %swap3A_25 = tpu.vector_load %arg6[%swap3A_24] {strides = array<i32>} : memref<640xf32, #tpu.memory_space<vmem>>, vector<16xf32>,
    %swap3A_26 = vector.shape_cast %swap3A_25 : vector<16xf32> to vector<16xf32>
    %swap3A_27 = vector.shape_cast %broadcast_in_dim3A_23 : vector<16xf32> to vector<16xf32>
    tpu.vector_store %arg6[%swap3A_24], %swap3A_27 {strides = array<i32>} : memref<640xf32, #tpu.memory_space<vmem>>, vector<16xf32>,
    %broadcast_in_dim3A_28 = arith.constant 0.000000e+00 : f32
    %broadcast_in_dim3A_29 = vector.broadcast %broadcast_in_dim3A_28 : f32 to vector<16xf32>
    %swap3A_30 = arith.constant 80 : index
    %swap3A_31 = tpu.vector_load %arg6[%swap3A_30] {strides = array<i32>} : memref<640xf32, #tpu.memory_space<vmem>>, vector<16xf32>,
    %swap3A_32 = vector.shape_cast %swap3A_31 : vector<16xf32> to vector<16xf32>
    %swap3A_33 = vector.shape_cast %broadcast_in_dim3A_29 : vector<16xf32> to vector<16xf32>
    tpu.vector_store %arg6[%swap3A_30], %swap3A_33 {strides = array<i32>} : memref<640xf32, #tpu.memory_space<vmem>>, vector<16xf32>,
    %broadcast_in_dim3A_34 = arith.constant 0.000000e+00 : f32
    %broadcast_in_dim3A_35 = vector.broadcast %broadcast_in_dim3A_34 : f32 to vector<16xf32>
    %swap3A_36 = arith.constant 96 : index
    %swap3A_37 = tpu.vector_load %arg6[%swap3A_36] {strides = array<i32>} : memref<640xf32, #tpu.memory_space<vmem>>, vector<16xf32>,
    %swap3A_38 = vector.shape_cast %swap3A_37 : vector<16xf32> to vector<16xf32>
    %swap3A_39 = vector.shape_cast %broadcast_in_dim3A_35 : vector<16xf32> to vector<16xf32>
    tpu.vector_store %arg6[%swap3A_36], %swap3A_39 {strides = array<i32>} : memref<640xf32, #tpu.memory_space<vmem>>, vector<16xf32>,
    %broadcast_in_dim3A_40 = arith.constant 0.000000e+00 : f32
    %broadcast_in_dim3A_41 = vector.broadcast %broadcast_in_dim3A_40 : f32 to vector<16xf32>
    %swap3A_42 = arith.constant 112 : index
    %swap3A_43 = tpu.vector_load %arg6[%swap3A_42] {strides = array<i32>} : memref<640xf32, #tpu.memory_space<vmem>>, vector<16xf32>,
    %swap3A_44 = vector.shape_cast %swap3A_43 : vector<16xf32> to vector<16xf32>
    %swap3A_45 = vector.shape_cast %broadcast_in_dim3A_41 : vector<16xf32> to vector<16xf32>
    tpu.vector_store %arg6[%swap3A_42], %swap3A_45 {strides = array<i32>} : memref<640xf32, #tpu.memory_space<vmem>>, vector<16xf32>,
    %broadcast_in_dim3A_46 = arith.constant 0.000000e+00 : f32
    %broadcast_in_dim3A_47 = vector.broadcast %broadcast_in_dim3A_46 : f32 to vector<16xf32>
    %swap3A_48 = arith.constant 128 : index
    %swap3A_49 = tpu.vector_load %arg6[%swap3A_48] {strides = array<i32>} : memref<640xf32, #tpu.memory_space<vmem>>, vector<16xf32>,
    %swap3A_50 = vector.shape_cast %swap3A_49 : vector<16xf32> to vector<16xf32>
    %swap3A_51 = vector.shape_cast %broadcast_in_dim3A_47 : vector<16xf32> to vector<16xf32>
    tpu.vector_store %arg6[%swap3A_48], %swap3A_51 {strides = array<i32>} : memref<640xf32, #tpu.memory_space<vmem>>, vector<16xf32>,
    %broadcast_in_dim3A_52 = arith.constant 0.000000e+00 : f32
    %broadcast_in_dim3A_53 = vector.broadcast %broadcast_in_dim3A_52 : f32 to vector<16xf32>
    %swap3A_54 = arith.constant 144 : index
    %swap3A_55 = tpu.vector_load %arg6[%swap3A_54] {strides = array<i32>} : memref<640xf32, #tpu.memory_space<vmem>>, vector<16xf32>,
    %swap3A_56 = vector.shape_cast %swap3A_55 : vector<16xf32> to vector<16xf32>
    %swap3A_57 = vector.shape_cast %broadcast_in_dim3A_53 : vector<16xf32> to vector<16xf32>
    tpu.vector_store %arg6[%swap3A_54], %swap3A_57 {strides = array<i32>} : memref<640xf32, #tpu.memory_space<vmem>>, vector<16xf32>,
    %broadcast_in_dim3A_58 = arith.constant 0.000000e+00 : f32
    %broadcast_in_dim3A_59 = vector.broadcast %broadcast_in_dim3A_58 : f32 to vector<16xf32>
    %swap3A_60 = arith.constant 160 : index
    %swap3A_61 = tpu.vector_load %arg6[%swap3A_60] {strides = array<i32>} : memref<640xf32, #tpu.memory_space<vmem>>, vector<16xf32>,
    %swap3A_62 = vector.shape_cast %swap3A_61 : vector<16xf32> to vector<16xf32>
    %swap3A_63 = vector.shape_cast %broadcast_in_dim3A_59 : vector<16xf32> to vector<16xf32>
    tpu.vector_store %arg6[%swap3A_60], %swap3A_63 {strides = array<i32>} : memref<640xf32, #tpu.memory_space<vmem>>, vector<16xf32>,
    %broadcast_in_dim3A_64 = arith.constant 0.000000e+00 : f32
    %broadcast_in_dim3A_65 = vector.broadcast %broadcast_in_dim3A_64 : f32 to vector<16xf32>
    %swap3A_66 = arith.constant 176 : index
    %swap3A_67 = tpu.vector_load %arg6[%swap3A_66] {strides = array<i32>} : memref<640xf32, #tpu.memory_space<vmem>>, vector<16xf32>,
    %swap3A_68 = vector.shape_cast %swap3A_67 : vector<16xf32> to vector<16xf32>
    %swap3A_69 = vector.shape_cast %broadcast_in_dim3A_65 : vector<16xf32> to vector<16xf32>
    tpu.vector_store %arg6[%swap3A_66], %swap3A_69 {strides = array<i32>} : memref<640xf32, #tpu.memory_space<vmem>>, vector<16xf32>,
    %broadcast_in_dim3A_70 = arith.constant 0.000000e+00 : f32
    %broadcast_in_dim3A_71 = vector.broadcast %broadcast_in_dim3A_70 : f32 to vector<16xf32>
    %swap3A_72 = arith.constant 192 : index
    %swap3A_73 = tpu.vector_load %arg6[%swap3A_72] {strides = array<i32>} : memref<640xf32, #tpu.memory_space<vmem>>, vector<16xf32>,
    %swap3A_74 = vector.shape_cast %swap3A_73 : vector<16xf32> to vector<16xf32>
    %swap3A_75 = vector.shape_cast %broadcast_in_dim3A_71 : vector<16xf32> to vector<16xf32>
    tpu.vector_store %arg6[%swap3A_72], %swap3A_75 {strides = array<i32>} : memref<640xf32, #tpu.memory_space<vmem>>, vector<16xf32>,
    %broadcast_in_dim3A_76 = arith.constant 0.000000e+00 : f32
    %broadcast_in_dim3A_77 = vector.broadcast %broadcast_in_dim3A_76 : f32 to vector<16xf32>
    %swap3A_78 = arith.constant 208 : index
    %swap3A_79 = tpu.vector_load %arg6[%swap3A_78] {strides = array<i32>} : memref<640xf32, #tpu.memory_space<vmem>>, vector<16xf32>,
    %swap3A_80 = vector.shape_cast %swap3A_79 : vector<16xf32> to vector<16xf32>
    %swap3A_81 = vector.shape_cast %broadcast_in_dim3A_77 : vector<16xf32> to vector<16xf32>
    tpu.vector_store %arg6[%swap3A_78], %swap3A_81 {strides = array<i32>} : memref<640xf32, #tpu.memory_space<vmem>>, vector<16xf32>,
    %broadcast_in_dim3A_82 = arith.constant 0.000000e+00 : f32
    %broadcast_in_dim3A_83 = vector.broadcast %broadcast_in_dim3A_82 : f32 to vector<16xf32>
    %swap3A_84 = arith.constant 224 : index
    %swap3A_85 = tpu.vector_load %arg6[%swap3A_84] {strides = array<i32>} : memref<640xf32, #tpu.memory_space<vmem>>, vector<16xf32>,
    %swap3A_86 = vector.shape_cast %swap3A_85 : vector<16xf32> to vector<16xf32>
    %swap3A_87 = vector.shape_cast %broadcast_in_dim3A_83 : vector<16xf32> to vector<16xf32>
    tpu.vector_store %arg6[%swap3A_84], %swap3A_87 {strides = array<i32>} : memref<640xf32, #tpu.memory_space<vmem>>, vector<16xf32>,
    %broadcast_in_dim3A_88 = arith.constant 0.000000e+00 : f32
    %broadcast_in_dim3A_89 = vector.broadcast %broadcast_in_dim3A_88 : f32 to vector<16xf32>
    %swap3A_90 = arith.constant 240 : index
    %swap3A_91 = tpu.vector_load %arg6[%swap3A_90] {strides = array<i32>} : memref<640xf32, #tpu.memory_space<vmem>>, vector<16xf32>,
    %swap3A_92 = vector.shape_cast %swap3A_91 : vector<16xf32> to vector<16xf32>
    %swap3A_93 = vector.shape_cast %broadcast_in_dim3A_89 : vector<16xf32> to vector<16xf32>
    tpu.vector_store %arg6[%swap3A_90], %swap3A_93 {strides = array<i32>} : memref<640xf32, #tpu.memory_space<vmem>>, vector<16xf32>,
    %broadcast_in_dim3A_94 = arith.constant 0.000000e+00 : f32
    %broadcast_in_dim3A_95 = vector.broadcast %broadcast_in_dim3A_94 : f32 to vector<16xf32>
    %swap3A_96 = arith.constant 256 : index
    %swap3A_97 = tpu.vector_load %arg6[%swap3A_96] {strides = array<i32>} : memref<640xf32, #tpu.memory_space<vmem>>, vector<16xf32>,
    %swap3A_98 = vector.shape_cast %swap3A_97 : vector<16xf32> to vector<16xf32>
    %swap3A_99 = vector.shape_cast %broadcast_in_dim3A_95 : vector<16xf32> to vector<16xf32>
    tpu.vector_store %arg6[%swap3A_96], %swap3A_99 {strides = array<i32>} : memref<640xf32, #tpu.memory_space<vmem>>, vector<16xf32>,
    %broadcast_in_dim3A_100 = arith.constant 0.000000e+00 : f32
    %broadcast_in_dim3A_101 = vector.broadcast %broadcast_in_dim3A_100 : f32 to vector<16xf32>
    %swap3A_102 = arith.constant 272 : index
    %swap3A_103 = tpu.vector_load %arg6[%swap3A_102] {strides = array<i32>} : memref<640xf32, #tpu.memory_space<vmem>>, vector<16xf32>,
    %swap3A_104 = vector.shape_cast %swap3A_103 : vector<16xf32> to vector<16xf32>
    %swap3A_105 = vector.shape_cast %broadcast_in_dim3A_101 : vector<16xf32> to vector<16xf32>
    tpu.vector_store %arg6[%swap3A_102], %swap3A_105 {strides = array<i32>} : memref<640xf32, #tpu.memory_space<vmem>>, vector<16xf32>,
    %broadcast_in_dim3A_106 = arith.constant 0.000000e+00 : f32
    %broadcast_in_dim3A_107 = vector.broadcast %broadcast_in_dim3A_106 : f32 to vector<16xf32>
    %swap3A_108 = arith.constant 288 : index
    %swap3A_109 = tpu.vector_load %arg6[%swap3A_108] {strides = array<i32>} : memref<640xf32, #tpu.memory_space<vmem>>, vector<16xf32>,
    %swap3A_110 = vector.shape_cast %swap3A_109 : vector<16xf32> to vector<16xf32>
    %swap3A_111 = vector.shape_cast %broadcast_in_dim3A_107 : vector<16xf32> to vector<16xf32>
    tpu.vector_store %arg6[%swap3A_108], %swap3A_111 {strides = array<i32>} : memref<640xf32, #tpu.memory_space<vmem>>, vector<16xf32>,
    %broadcast_in_dim3A_112 = arith.constant 0.000000e+00 : f32
    %broadcast_in_dim3A_113 = vector.broadcast %broadcast_in_dim3A_112 : f32 to vector<16xf32>
    %swap3A_114 = arith.constant 304 : index
    %swap3A_115 = tpu.vector_load %arg6[%swap3A_114] {strides = array<i32>} : memref<640xf32, #tpu.memory_space<vmem>>, vector<16xf32>,
    %swap3A_116 = vector.shape_cast %swap3A_115 : vector<16xf32> to vector<16xf32>
    %swap3A_117 = vector.shape_cast %broadcast_in_dim3A_113 : vector<16xf32> to vector<16xf32>
    tpu.vector_store %arg6[%swap3A_114], %swap3A_117 {strides = array<i32>} : memref<640xf32, #tpu.memory_space<vmem>>, vector<16xf32>,
    %broadcast_in_dim3A_118 = arith.constant 0.000000e+00 : f32
    %broadcast_in_dim3A_119 = vector.broadcast %broadcast_in_dim3A_118 : f32 to vector<16xf32>
    %swap3A_120 = arith.constant 320 : index
    %swap3A_121 = tpu.vector_load %arg6[%swap3A_120] {strides = array<i32>} : memref<640xf32, #tpu.memory_space<vmem>>, vector<16xf32>,
    %swap3A_122 = vector.shape_cast %swap3A_121 : vector<16xf32> to vector<16xf32>
    %swap3A_123 = vector.shape_cast %broadcast_in_dim3A_119 : vector<16xf32> to vector<16xf32>
    tpu.vector_store %arg6[%swap3A_120], %swap3A_123 {strides = array<i32>} : memref<640xf32, #tpu.memory_space<vmem>>, vector<16xf32>,
    %broadcast_in_dim3A_124 = arith.constant 0.000000e+00 : f32
    %broadcast_in_dim3A_125 = vector.broadcast %broadcast_in_dim3A_124 : f32 to vector<16xf32>
    %swap3A_126 = arith.constant 336 : index
    %swap3A_127 = tpu.vector_load %arg6[%swap3A_126] {strides = array<i32>} : memref<640xf32, #tpu.memory_space<vmem>>, vector<16xf32>,
    %swap3A_128 = vector.shape_cast %swap3A_127 : vector<16xf32> to vector<16xf32>
    %swap3A_129 = vector.shape_cast %broadcast_in_dim3A_125 : vector<16xf32> to vector<16xf32>
    tpu.vector_store %arg6[%swap3A_126], %swap3A_129 {strides = array<i32>} : memref<640xf32, #tpu.memory_space<vmem>>, vector<16xf32>,
    %broadcast_in_dim3A_130 = arith.constant 0.000000e+00 : f32
    %broadcast_in_dim3A_131 = vector.broadcast %broadcast_in_dim3A_130 : f32 to vector<16xf32>
    %swap3A_132 = arith.constant 352 : index
    %swap3A_133 = tpu.vector_load %arg6[%swap3A_132] {strides = array<i32>} : memref<640xf32, #tpu.memory_space<vmem>>, vector<16xf32>,
    %swap3A_134 = vector.shape_cast %swap3A_133 : vector<16xf32> to vector<16xf32>
    %swap3A_135 = vector.shape_cast %broadcast_in_dim3A_131 : vector<16xf32> to vector<16xf32>
    tpu.vector_store %arg6[%swap3A_132], %swap3A_135 {strides = array<i32>} : memref<640xf32, #tpu.memory_space<vmem>>, vector<16xf32>,
    %broadcast_in_dim3A_136 = arith.constant 0.000000e+00 : f32
    %broadcast_in_dim3A_137 = vector.broadcast %broadcast_in_dim3A_136 : f32 to vector<16xf32>
    %swap3A_138 = arith.constant 368 : index
    %swap3A_139 = tpu.vector_load %arg6[%swap3A_138] {strides = array<i32>} : memref<640xf32, #tpu.memory_space<vmem>>, vector<16xf32>,
    %swap3A_140 = vector.shape_cast %swap3A_139 : vector<16xf32> to vector<16xf32>
    %swap3A_141 = vector.shape_cast %broadcast_in_dim3A_137 : vector<16xf32> to vector<16xf32>
    tpu.vector_store %arg6[%swap3A_138], %swap3A_141 {strides = array<i32>} : memref<640xf32, #tpu.memory_space<vmem>>, vector<16xf32>,
    %broadcast_in_dim3A_142 = arith.constant 0.000000e+00 : f32
    %broadcast_in_dim3A_143 = vector.broadcast %broadcast_in_dim3A_142 : f32 to vector<16xf32>
    %swap3A_144 = arith.constant 384 : index
    %swap3A_145 = tpu.vector_load %arg6[%swap3A_144] {strides = array<i32>} : memref<640xf32, #tpu.memory_space<vmem>>, vector<16xf32>,
    %swap3A_146 = vector.shape_cast %swap3A_145 : vector<16xf32> to vector<16xf32>
    %swap3A_147 = vector.shape_cast %broadcast_in_dim3A_143 : vector<16xf32> to vector<16xf32>
    tpu.vector_store %arg6[%swap3A_144], %swap3A_147 {strides = array<i32>} : memref<640xf32, #tpu.memory_space<vmem>>, vector<16xf32>,
    %broadcast_in_dim3A_148 = arith.constant 0.000000e+00 : f32
    %broadcast_in_dim3A_149 = vector.broadcast %broadcast_in_dim3A_148 : f32 to vector<16xf32>
    %swap3A_150 = arith.constant 400 : index
    %swap3A_151 = tpu.vector_load %arg6[%swap3A_150] {strides = array<i32>} : memref<640xf32, #tpu.memory_space<vmem>>, vector<16xf32>,
    %swap3A_152 = vector.shape_cast %swap3A_151 : vector<16xf32> to vector<16xf32>
    %swap3A_153 = vector.shape_cast %broadcast_in_dim3A_149 : vector<16xf32> to vector<16xf32>
    tpu.vector_store %arg6[%swap3A_150], %swap3A_153 {strides = array<i32>} : memref<640xf32, #tpu.memory_space<vmem>>, vector<16xf32>,
    %broadcast_in_dim3A_154 = arith.constant 0.000000e+00 : f32
    %broadcast_in_dim3A_155 = vector.broadcast %broadcast_in_dim3A_154 : f32 to vector<16xf32>
    %swap3A_156 = arith.constant 416 : index
    %swap3A_157 = tpu.vector_load %arg6[%swap3A_156] {strides = array<i32>} : memref<640xf32, #tpu.memory_space<vmem>>, vector<16xf32>,
    %swap3A_158 = vector.shape_cast %swap3A_157 : vector<16xf32> to vector<16xf32>
    %swap3A_159 = vector.shape_cast %broadcast_in_dim3A_155 : vector<16xf32> to vector<16xf32>
    tpu.vector_store %arg6[%swap3A_156], %swap3A_159 {strides = array<i32>} : memref<640xf32, #tpu.memory_space<vmem>>, vector<16xf32>,
    %broadcast_in_dim3A_160 = arith.constant 0.000000e+00 : f32
    %broadcast_in_dim3A_161 = vector.broadcast %broadcast_in_dim3A_160 : f32 to vector<16xf32>
    %swap3A_162 = arith.constant 432 : index
    %swap3A_163 = tpu.vector_load %arg6[%swap3A_162] {strides = array<i32>} : memref<640xf32, #tpu.memory_space<vmem>>, vector<16xf32>,
    %swap3A_164 = vector.shape_cast %swap3A_163 : vector<16xf32> to vector<16xf32>
    %swap3A_165 = vector.shape_cast %broadcast_in_dim3A_161 : vector<16xf32> to vector<16xf32>
    tpu.vector_store %arg6[%swap3A_162], %swap3A_165 {strides = array<i32>} : memref<640xf32, #tpu.memory_space<vmem>>, vector<16xf32>,
    %broadcast_in_dim3A_166 = arith.constant 0.000000e+00 : f32
    %broadcast_in_dim3A_167 = vector.broadcast %broadcast_in_dim3A_166 : f32 to vector<16xf32>
    %swap3A_168 = arith.constant 448 : index
    %swap3A_169 = tpu.vector_load %arg6[%swap3A_168] {strides = array<i32>} : memref<640xf32, #tpu.memory_space<vmem>>, vector<16xf32>,
    %swap3A_170 = vector.shape_cast %swap3A_169 : vector<16xf32> to vector<16xf32>
    %swap3A_171 = vector.shape_cast %broadcast_in_dim3A_167 : vector<16xf32> to vector<16xf32>
    tpu.vector_store %arg6[%swap3A_168], %swap3A_171 {strides = array<i32>} : memref<640xf32, #tpu.memory_space<vmem>>, vector<16xf32>,
    %broadcast_in_dim3A_172 = arith.constant 0.000000e+00 : f32
    %broadcast_in_dim3A_173 = vector.broadcast %broadcast_in_dim3A_172 : f32 to vector<16xf32>
    %swap3A_174 = arith.constant 464 : index
    %swap3A_175 = tpu.vector_load %arg6[%swap3A_174] {strides = array<i32>} : memref<640xf32, #tpu.memory_space<vmem>>, vector<16xf32>,
    %swap3A_176 = vector.shape_cast %swap3A_175 : vector<16xf32> to vector<16xf32>
    %swap3A_177 = vector.shape_cast %broadcast_in_dim3A_173 : vector<16xf32> to vector<16xf32>
    tpu.vector_store %arg6[%swap3A_174], %swap3A_177 {strides = array<i32>} : memref<640xf32, #tpu.memory_space<vmem>>, vector<16xf32>,
    %broadcast_in_dim3A_178 = arith.constant 0.000000e+00 : f32
    %broadcast_in_dim3A_179 = vector.broadcast %broadcast_in_dim3A_178 : f32 to vector<16xf32>
    %swap3A_180 = arith.constant 480 : index
    %swap3A_181 = tpu.vector_load %arg6[%swap3A_180] {strides = array<i32>} : memref<640xf32, #tpu.memory_space<vmem>>, vector<16xf32>,
    %swap3A_182 = vector.shape_cast %swap3A_181 : vector<16xf32> to vector<16xf32>
    %swap3A_183 = vector.shape_cast %broadcast_in_dim3A_179 : vector<16xf32> to vector<16xf32>
    tpu.vector_store %arg6[%swap3A_180], %swap3A_183 {strides = array<i32>} : memref<640xf32, #tpu.memory_space<vmem>>, vector<16xf32>,
    %broadcast_in_dim3A_184 = arith.constant 0.000000e+00 : f32
    %broadcast_in_dim3A_185 = vector.broadcast %broadcast_in_dim3A_184 : f32 to vector<16xf32>
    %swap3A_186 = arith.constant 496 : index
    %swap3A_187 = tpu.vector_load %arg6[%swap3A_186] {strides = array<i32>} : memref<640xf32, #tpu.memory_space<vmem>>, vector<16xf32>,
    %swap3A_188 = vector.shape_cast %swap3A_187 : vector<16xf32> to vector<16xf32>
    %swap3A_189 = vector.shape_cast %broadcast_in_dim3A_185 : vector<16xf32> to vector<16xf32>
    tpu.vector_store %arg6[%swap3A_186], %swap3A_189 {strides = array<i32>} : memref<640xf32, #tpu.memory_space<vmem>>, vector<16xf32>,
    %broadcast_in_dim3A_190 = arith.constant 0.000000e+00 : f32
    %broadcast_in_dim3A_191 = vector.broadcast %broadcast_in_dim3A_190 : f32 to vector<16xf32>
    %swap3A_192 = arith.constant 512 : index
    %swap3A_193 = tpu.vector_load %arg6[%swap3A_192] {strides = array<i32>} : memref<640xf32, #tpu.memory_space<vmem>>, vector<16xf32>,
    %swap3A_194 = vector.shape_cast %swap3A_193 : vector<16xf32> to vector<16xf32>
    %swap3A_195 = vector.shape_cast %broadcast_in_dim3A_191 : vector<16xf32> to vector<16xf32>
    tpu.vector_store %arg6[%swap3A_192], %swap3A_195 {strides = array<i32>} : memref<640xf32, #tpu.memory_space<vmem>>, vector<16xf32>,
    %broadcast_in_dim3A_196 = arith.constant 0.000000e+00 : f32
    %broadcast_in_dim3A_197 = vector.broadcast %broadcast_in_dim3A_196 : f32 to vector<16xf32>
    %swap3A_198 = arith.constant 528 : index
    %swap3A_199 = tpu.vector_load %arg6[%swap3A_198] {strides = array<i32>} : memref<640xf32, #tpu.memory_space<vmem>>, vector<16xf32>,
    %swap3A_200 = vector.shape_cast %swap3A_199 : vector<16xf32> to vector<16xf32>
    %swap3A_201 = vector.shape_cast %broadcast_in_dim3A_197 : vector<16xf32> to vector<16xf32>
    tpu.vector_store %arg6[%swap3A_198], %swap3A_201 {strides = array<i32>} : memref<640xf32, #tpu.memory_space<vmem>>, vector<16xf32>,
    %broadcast_in_dim3A_202 = arith.constant 0.000000e+00 : f32
    %broadcast_in_dim3A_203 = vector.broadcast %broadcast_in_dim3A_202 : f32 to vector<16xf32>
    %swap3A_204 = arith.constant 544 : index
    %swap3A_205 = tpu.vector_load %arg6[%swap3A_204] {strides = array<i32>} : memref<640xf32, #tpu.memory_space<vmem>>, vector<16xf32>,
    %swap3A_206 = vector.shape_cast %swap3A_205 : vector<16xf32> to vector<16xf32>
    %swap3A_207 = vector.shape_cast %broadcast_in_dim3A_203 : vector<16xf32> to vector<16xf32>
    tpu.vector_store %arg6[%swap3A_204], %swap3A_207 {strides = array<i32>} : memref<640xf32, #tpu.memory_space<vmem>>, vector<16xf32>,
    %broadcast_in_dim3A_208 = arith.constant 0.000000e+00 : f32
    %broadcast_in_dim3A_209 = vector.broadcast %broadcast_in_dim3A_208 : f32 to vector<16xf32>
    %swap3A_210 = arith.constant 560 : index
    %swap3A_211 = tpu.vector_load %arg6[%swap3A_210] {strides = array<i32>} : memref<640xf32, #tpu.memory_space<vmem>>, vector<16xf32>,
    %swap3A_212 = vector.shape_cast %swap3A_211 : vector<16xf32> to vector<16xf32>
    %swap3A_213 = vector.shape_cast %broadcast_in_dim3A_209 : vector<16xf32> to vector<16xf32>
    tpu.vector_store %arg6[%swap3A_210], %swap3A_213 {strides = array<i32>} : memref<640xf32, #tpu.memory_space<vmem>>, vector<16xf32>,
    %broadcast_in_dim3A_214 = arith.constant 0.000000e+00 : f32
    %broadcast_in_dim3A_215 = vector.broadcast %broadcast_in_dim3A_214 : f32 to vector<16xf32>
    %swap3A_216 = arith.constant 576 : index
    %swap3A_217 = tpu.vector_load %arg6[%swap3A_216] {strides = array<i32>} : memref<640xf32, #tpu.memory_space<vmem>>, vector<16xf32>,
    %swap3A_218 = vector.shape_cast %swap3A_217 : vector<16xf32> to vector<16xf32>
    %swap3A_219 = vector.shape_cast %broadcast_in_dim3A_215 : vector<16xf32> to vector<16xf32>
    tpu.vector_store %arg6[%swap3A_216], %swap3A_219 {strides = array<i32>} : memref<640xf32, #tpu.memory_space<vmem>>, vector<16xf32>,
    %broadcast_in_dim3A_220 = arith.constant 0.000000e+00 : f32
    %broadcast_in_dim3A_221 = vector.broadcast %broadcast_in_dim3A_220 : f32 to vector<16xf32>
    %swap3A_222 = arith.constant 592 : index
    %swap3A_223 = tpu.vector_load %arg6[%swap3A_222] {strides = array<i32>} : memref<640xf32, #tpu.memory_space<vmem>>, vector<16xf32>,
    %swap3A_224 = vector.shape_cast %swap3A_223 : vector<16xf32> to vector<16xf32>
    %swap3A_225 = vector.shape_cast %broadcast_in_dim3A_221 : vector<16xf32> to vector<16xf32>
    tpu.vector_store %arg6[%swap3A_222], %swap3A_225 {strides = array<i32>} : memref<640xf32, #tpu.memory_space<vmem>>, vector<16xf32>,
    %broadcast_in_dim3A_226 = arith.constant 0.000000e+00 : f32
    %broadcast_in_dim3A_227 = vector.broadcast %broadcast_in_dim3A_226 : f32 to vector<16xf32>
    %swap3A_228 = arith.constant 608 : index
    %swap3A_229 = tpu.vector_load %arg6[%swap3A_228] {strides = array<i32>} : memref<640xf32, #tpu.memory_space<vmem>>, vector<16xf32>,
    %swap3A_230 = vector.shape_cast %swap3A_229 : vector<16xf32> to vector<16xf32>
    %swap3A_231 = vector.shape_cast %broadcast_in_dim3A_227 : vector<16xf32> to vector<16xf32>
    tpu.vector_store %arg6[%swap3A_228], %swap3A_231 {strides = array<i32>} : memref<640xf32, #tpu.memory_space<vmem>>, vector<16xf32>,
    %broadcast_in_dim3A_232 = arith.constant 0.000000e+00 : f32
    %broadcast_in_dim3A_233 = vector.broadcast %broadcast_in_dim3A_232 : f32 to vector<16xf32>
    %swap3A_234 = arith.constant 624 : index
    %swap3A_235 = tpu.vector_load %arg6[%swap3A_234] {strides = array<i32>} : memref<640xf32, #tpu.memory_space<vmem>>, vector<16xf32>,
    %swap3A_236 = vector.shape_cast %swap3A_235 : vector<16xf32> to vector<16xf32>
    %swap3A_237 = vector.shape_cast %broadcast_in_dim3A_233 : vector<16xf32> to vector<16xf32>
    tpu.vector_store %arg6[%swap3A_234], %swap3A_237 {strides = array<i32>} : memref<640xf32, #tpu.memory_space<vmem>>, vector<16xf32>,
    %broadcast_in_dim3A_238 = arith.constant 1.000000e+00 : f32
    %broadcast_in_dim3A_239 = vector.broadcast %broadcast_in_dim3A_238 : f32 to vector<16xf32>
    %swap3A_240 = arith.constant 0 : index
    %swap3A_241 = tpu.vector_load %arg5[%swap3A_240] {strides = array<i32>} : memref<100xf32, #tpu.memory_space<vmem>>, vector<16xf32>,
    %swap3A_242 = vector.shape_cast %swap3A_241 : vector<16xf32> to vector<16xf32>
    %swap3A_243 = vector.shape_cast %broadcast_in_dim3A_239 : vector<16xf32> to vector<16xf32>
    tpu.vector_store %arg5[%swap3A_240], %swap3A_243 {strides = array<i32>} : memref<100xf32, #tpu.memory_space<vmem>>, vector<16xf32>,
    %broadcast_in_dim3A_244 = arith.constant 1.000000e+00 : f32
    %broadcast_in_dim3A_245 = vector.broadcast %broadcast_in_dim3A_244 : f32 to vector<16xf32>
    %swap3A_246 = arith.constant 16 : index
    %swap3A_247 = tpu.vector_load %arg5[%swap3A_246] {strides = array<i32>} : memref<100xf32, #tpu.memory_space<vmem>>, vector<16xf32>,
    %swap3A_248 = vector.shape_cast %swap3A_247 : vector<16xf32> to vector<16xf32>
    %swap3A_249 = vector.shape_cast %broadcast_in_dim3A_245 : vector<16xf32> to vector<16xf32>
    tpu.vector_store %arg5[%swap3A_246], %swap3A_249 {strides = array<i32>} : memref<100xf32, #tpu.memory_space<vmem>>, vector<16xf32>,
    %broadcast_in_dim3A_250 = arith.constant 1.000000e+00 : f32
    %broadcast_in_dim3A_251 = vector.broadcast %broadcast_in_dim3A_250 : f32 to vector<16xf32>
    %swap3A_252 = arith.constant 32 : index
    %swap3A_253 = tpu.vector_load %arg5[%swap3A_252] {strides = array<i32>} : memref<100xf32, #tpu.memory_space<vmem>>, vector<16xf32>,
    %swap3A_254 = vector.shape_cast %swap3A_253 : vector<16xf32> to vector<16xf32>
    %swap3A_255 = vector.shape_cast %broadcast_in_dim3A_251 : vector<16xf32> to vector<16xf32>
    tpu.vector_store %arg5[%swap3A_252], %swap3A_255 {strides = array<i32>} : memref<100xf32, #tpu.memory_space<vmem>>, vector<16xf32>,
    %broadcast_in_dim3A_256 = arith.constant 1.000000e+00 : f32
    %broadcast_in_dim3A_257 = vector.broadcast %broadcast_in_dim3A_256 : f32 to vector<16xf32>
    %swap3A_258 = arith.constant 48 : index
    %swap3A_259 = tpu.vector_load %arg5[%swap3A_258] {strides = array<i32>} : memref<100xf32, #tpu.memory_space<vmem>>, vector<16xf32>,
    %swap3A_260 = vector.shape_cast %swap3A_259 : vector<16xf32> to vector<16xf32>
    %swap3A_261 = vector.shape_cast %broadcast_in_dim3A_257 : vector<16xf32> to vector<16xf32>
    tpu.vector_store %arg5[%swap3A_258], %swap3A_261 {strides = array<i32>} : memref<100xf32, #tpu.memory_space<vmem>>, vector<16xf32>,
    %broadcast_in_dim3A_262 = arith.constant 1.000000e+00 : f32
    %broadcast_in_dim3A_263 = vector.broadcast %broadcast_in_dim3A_262 : f32 to vector<16xf32>
    %swap3A_264 = arith.constant 64 : index
    %swap3A_265 = tpu.vector_load %arg5[%swap3A_264] {strides = array<i32>} : memref<100xf32, #tpu.memory_space<vmem>>, vector<16xf32>,
    %swap3A_266 = vector.shape_cast %swap3A_265 : vector<16xf32> to vector<16xf32>
    %swap3A_267 = vector.shape_cast %broadcast_in_dim3A_263 : vector<16xf32> to vector<16xf32>
    tpu.vector_store %arg5[%swap3A_264], %swap3A_267 {strides = array<i32>} : memref<100xf32, #tpu.memory_space<vmem>>, vector<16xf32>,
    %broadcast_in_dim3A_268 = arith.constant 1.000000e+00 : f32
    %broadcast_in_dim3A_269 = vector.broadcast %broadcast_in_dim3A_268 : f32 to vector<16xf32>
    %swap3A_270 = arith.constant 80 : index
    %swap3A_271 = tpu.vector_load %arg5[%swap3A_270] {strides = array<i32>} : memref<100xf32, #tpu.memory_space<vmem>>, vector<16xf32>,
    %swap3A_272 = vector.shape_cast %swap3A_271 : vector<16xf32> to vector<16xf32>
    %swap3A_273 = vector.shape_cast %broadcast_in_dim3A_269 : vector<16xf32> to vector<16xf32>
    tpu.vector_store %arg5[%swap3A_270], %swap3A_273 {strides = array<i32>} : memref<100xf32, #tpu.memory_space<vmem>>, vector<16xf32>,
    %broadcast_in_dim3A_274 = arith.constant 1.000000e+00 : f32
    %broadcast_in_dim3A_275 = vector.broadcast %broadcast_in_dim3A_274 : f32 to vector<16xf32>
    %swap3A_276 = arith.constant 84 : index
    %swap3A_277 = tpu.vector_load %arg5[%swap3A_276] {strides = array<i32>} : memref<100xf32, #tpu.memory_space<vmem>>, vector<16xf32>,
    %swap3A_278 = vector.shape_cast %swap3A_277 : vector<16xf32> to vector<16xf32>
    %swap3A_279 = vector.shape_cast %broadcast_in_dim3A_275 : vector<16xf32> to vector<16xf32>
    tpu.vector_store %arg5[%swap3A_276], %swap3A_279 {strides = array<i32>} : memref<100xf32, #tpu.memory_space<vmem>>, vector<16xf32>,
    %mul3A = arith.constant 640 : i32
    %mul3A_280 = arith.muli %arg1, %mul3A : i32
    "tpu.region"() ({
      %run_scoped3A_293 = tpu.sem_alloc : memref<!tpu.dma_semaphore, #tpu.memory_space<semaphore_mem>>
      %dma_start3A = tpu.memref_slice %arg7[%mul3A_280] : memref<10240xf32, #tpu.memory_space<vmem_shared>> -> memref<640xf32, #tpu.memory_space<vmem_shared>>
      %dma_start3A_294 = tpu.memref_slice %arg7[%mul3A_280] : memref<10240xf32, #tpu.memory_space<vmem_shared>> -> memref<640xf32, #tpu.memory_space<vmem_shared>>
      tpu.enqueue_dma source(%arg6 : memref<640xf32, #tpu.memory_space<vmem>>) target(%dma_start3A_294 : memref<640xf32, #tpu.memory_space<vmem_shared>>) target_semaphore(%run_scoped3A_293 : memref<!tpu.dma_semaphore, #tpu.memory_space<semaphore_mem>>)
      %dma_wait3A = tpu.memref_slice %arg7[%mul3A_280] : memref<10240xf32, #tpu.memory_space<vmem_shared>> -> memref<640xf32, #tpu.memory_space<vmem_shared>>
      %dma_wait3A_295 = tpu.memref_slice %arg7[%mul3A_280] : memref<10240xf32, #tpu.memory_space<vmem_shared>> -> memref<640xf32, #tpu.memory_space<vmem_shared>>
      tpu.wait_dma2 semaphore(%run_scoped3A_293 : memref<!tpu.dma_semaphore, #tpu.memory_space<semaphore_mem>>) src(%arg6 : memref<640xf32, #tpu.memory_space<vmem>>) dst(%dma_wait3A_295 : memref<640xf32, #tpu.memory_space<vmem_shared>>)
      tpu.yield
    }) : () -> ()
    %mul3A_281 = arith.constant 16 : i32
    %mul3A_282 = arith.muli %arg0, %mul3A_281 : i32
    %add3A = arith.addi %mul3A_282, %arg1 : i32
    "tpu.region"() ({
      %run_scoped3A_293 = tpu.sem_alloc : memref<!tpu.dma_semaphore, #tpu.memory_space<semaphore_mem>>
      %dma_start3A = arith.constant 0 : i32
      %dma_start3A_294 = arith.constant 0 : i32
      %dma_start3A_295 = tpu.memref_slice %arg2[%add3A, %dma_start3A, %dma_start3A_294] : memref<32x100x100xi32, #tpu.memory_space<hbm>> -> memref<1x100x100xi32, #tpu.memory_space<hbm>>
      %dma_start3A_296 = tpu.memref_squeeze %dma_start3A_295 : memref<1x100x100xi32, #tpu.memory_space<hbm>> -> memref<100x100xi32, #tpu.memory_space<hbm>>
      %dma_start3A_297 = arith.constant 0 : i32
      %dma_start3A_298 = arith.constant 0 : i32
      %dma_start3A_299 = tpu.memref_slice %arg2[%add3A, %dma_start3A_297, %dma_start3A_298] : memref<32x100x100xi32, #tpu.memory_space<hbm>> -> memref<1x100x100xi32, #tpu.memory_space<hbm>>
      %dma_start3A_300 = tpu.memref_squeeze %dma_start3A_299 : memref<1x100x100xi32, #tpu.memory_space<hbm>> -> memref<100x100xi32, #tpu.memory_space<hbm>>
      tpu.enqueue_dma source(%dma_start3A_300 : memref<100x100xi32, #tpu.memory_space<hbm>>) target(%arg4 : memref<100x100xi32, #tpu.memory_space<vmem>>) target_semaphore(%run_scoped3A_293 : memref<!tpu.dma_semaphore, #tpu.memory_space<semaphore_mem>>)
      %dma_wait3A = arith.constant 0 : i32
      %dma_wait3A_301 = arith.constant 0 : i32
      %dma_wait3A_302 = tpu.memref_slice %arg2[%add3A, %dma_wait3A, %dma_wait3A_301] : memref<32x100x100xi32, #tpu.memory_space<hbm>> -> memref<1x100x100xi32, #tpu.memory_space<hbm>>
      %dma_wait3A_303 = tpu.memref_squeeze %dma_wait3A_302 : memref<1x100x100xi32, #tpu.memory_space<hbm>> -> memref<100x100xi32, #tpu.memory_space<hbm>>
      %dma_wait3A_304 = arith.constant 0 : i32
      %dma_wait3A_305 = arith.constant 0 : i32
      %dma_wait3A_306 = tpu.memref_slice %arg2[%add3A, %dma_wait3A_304, %dma_wait3A_305] : memref<32x100x100xi32, #tpu.memory_space<hbm>> -> memref<1x100x100xi32, #tpu.memory_space<hbm>>
      %dma_wait3A_307 = tpu.memref_squeeze %dma_wait3A_306 : memref<1x100x100xi32, #tpu.memory_space<hbm>> -> memref<100x100xi32, #tpu.memory_space<hbm>>
      tpu.wait_dma2 semaphore(%run_scoped3A_293 : memref<!tpu.dma_semaphore, #tpu.memory_space<semaphore_mem>>) src(%dma_wait3A_307 : memref<100x100xi32, #tpu.memory_space<hbm>>) dst(%arg4 : memref<100x100xi32, #tpu.memory_space<vmem>>)
      tpu.yield
    }) : () -> ()
    %barrier3A = arith.constant 0 : index
    tpu.barrier barrier_id(%barrier3A)
    %scan3A = arith.constant 0 : i32
    %scan3A_283 = arith.constant 0 : i32
    %scan3A_284 = arith.constant 100 : i32
    %scan3A_285 = arith.addi %scan3A_283, %scan3A_284 : i32
    %scan3A_286 = arith.constant 1 : i32
    scf.for %scan3A_293 = %scan3A_283 to %scan3A_285 step %scan3A_286  : i32 {
      "tpu.region"() ({
        %run_scoped3A_294 = tpu.sem_alloc : memref<!tpu.dma_semaphore, #tpu.memory_space<semaphore_mem>>
        %dma_start3A = arith.constant 0 : i32
        %dma_start3A_295 = tpu.memref_slice %arg4[%scan3A_293, %dma_start3A] : memref<100x100xi32, #tpu.memory_space<vmem>> -> memref<1x100xi32, #tpu.memory_space<vmem>>
        %dma_start3A_296 = tpu.memref_squeeze %dma_start3A_295 : memref<1x100xi32, #tpu.memory_space<vmem>> -> memref<100xi32, #tpu.memory_space<vmem>>
        %dma_start3A_297 = arith.constant 0 : i32
        %dma_start3A_298 = tpu.memref_slice %arg7[%dma_start3A_297] : memref<10240xf32, #tpu.memory_space<vmem_shared>> -> memref<10240xf32, #tpu.memory_space<vmem_shared>>
        tpu.enqueue_indirect_dma source(%arg5 : memref<100xf32, #tpu.memory_space<vmem>>) target(%dma_start3A_298 : memref<10240xf32, #tpu.memory_space<vmem_shared>>) offsets(%dma_start3A_296 : memref<100xi32, #tpu.memory_space<vmem>>) semaphore(%run_scoped3A_294 : memref<!tpu.dma_semaphore, #tpu.memory_space<semaphore_mem>>) {add = true}
        %dma_wait3A = arith.constant 0 : i32
        %dma_wait3A_299 = tpu.memref_slice %arg4[%scan3A_293, %dma_wait3A] : memref<100x100xi32, #tpu.memory_space<vmem>> -> memref<1x100xi32, #tpu.memory_space<vmem>>
        %dma_wait3A_300 = tpu.memref_squeeze %dma_wait3A_299 : memref<1x100xi32, #tpu.memory_space<vmem>> -> memref<100xi32, #tpu.memory_space<vmem>>
        %dma_wait3A_301 = arith.constant 0 : i32
        %dma_wait3A_302 = tpu.memref_slice %arg7[%dma_wait3A_301] : memref<10240xf32, #tpu.memory_space<vmem_shared>> -> memref<10240xf32, #tpu.memory_space<vmem_shared>>
        tpu.wait_indirect_dma semaphore(%run_scoped3A_294 : memref<!tpu.dma_semaphore, #tpu.memory_space<semaphore_mem>>) src(%arg5 : memref<100xf32, #tpu.memory_space<vmem>>) dst(%dma_wait3A_302 : memref<10240xf32, #tpu.memory_space<vmem_shared>>)
        tpu.yield
      }) : () -> ()
    }
    %scan3A_287 = arith.constant 100 : i32
    %barrier3A_288 = arith.constant 0 : index
    tpu.barrier barrier_id(%barrier3A_288)
    %mul3A_289 = arith.constant 640 : i32
    %mul3A_290 = arith.muli %arg1, %mul3A_289 : i32
    %mul3A_291 = arith.constant 640 : i32
    %mul3A_292 = arith.muli %arg1, %mul3A_291 : i32
    %run_scoped3A = arith.constant 0 : i32
    "tpu.region"() ({
      %run_scoped3A_293 = tpu.sem_alloc : memref<!tpu.dma_semaphore, #tpu.memory_space<semaphore_mem>>
      %dma_start3A = tpu.memref_slice %arg3[%arg0, %run_scoped3A, %mul3A_292] : memref<2x1x10240xf32, #tpu.memory_space<hbm>> -> memref<1x1x640xf32, #tpu.memory_space<hbm>>
      %dma_start3A_294 = tpu.memref_squeeze %dma_start3A : memref<1x1x640xf32, #tpu.memory_space<hbm>> -> memref<640xf32, #tpu.memory_space<hbm>>
      %dma_start3A_295 = tpu.memref_slice %arg7[%mul3A_290] : memref<10240xf32, #tpu.memory_space<vmem_shared>> -> memref<640xf32, #tpu.memory_space<vmem_shared>>
      tpu.enqueue_dma source(%dma_start3A_295 : memref<640xf32, #tpu.memory_space<vmem_shared>>) target(%dma_start3A_294 : memref<640xf32, #tpu.memory_space<hbm>>) target_semaphore(%run_scoped3A_293 : memref<!tpu.dma_semaphore, #tpu.memory_space<semaphore_mem>>)
      %dma_wait3A = tpu.memref_slice %arg3[%arg0, %run_scoped3A, %mul3A_292] : memref<2x1x10240xf32, #tpu.memory_space<hbm>> -> memref<1x1x640xf32, #tpu.memory_space<hbm>>
      %dma_wait3A_296 = tpu.memref_squeeze %dma_wait3A : memref<1x1x640xf32, #tpu.memory_space<hbm>> -> memref<640xf32, #tpu.memory_space<hbm>>
      %dma_wait3A_297 = tpu.memref_slice %arg7[%mul3A_290] : memref<10240xf32, #tpu.memory_space<vmem_shared>> -> memref<640xf32, #tpu.memory_space<vmem_shared>>
      tpu.wait_dma2 semaphore(%run_scoped3A_293 : memref<!tpu.dma_semaphore, #tpu.memory_space<semaphore_mem>>) src(%dma_wait3A_297 : memref<640xf32, #tpu.memory_space<vmem_shared>>) dst(%dma_wait3A_296 : memref<640xf32, #tpu.memory_space<hbm>>)
      tpu.yield
    }) : () -> ()
    return
  }
}

#map = affine_map<(d0, d1) -> (0, 0)>
#map1 = affine_map<(d0, d1) -> (0, 0, 0, 0, 0)>
#map2 = affine_map<(d0, d1) -> (0, 0, 0)>
module attributes {stable_mosaic.version = 14 : i64} {
  func.func @_accum_sc(%arg0: i32, %arg1: i32, %arg2: memref<10000x128xf32, #tpu.memory_space<hbm>>, %arg3: memref<32x2x2x40x125xi32, #tpu.memory_space<hbm>>, %arg4: memref<2x10000x128xf32, #tpu.memory_space<hbm>>, %arg5: memref<2x40x125xi32, #tpu.memory_space<vmem>>, %arg6: memref<2x125x128xf32, #tpu.memory_space<vmem>>, %arg7: memref<10000x128xf32, #tpu.memory_space<vmem_shared>>, %arg8: memref<!tpu.dma_semaphore, #tpu.memory_space<semaphore_mem>>, %arg9: memref<!tpu.dma_semaphore, #tpu.memory_space<semaphore_mem>>) attributes {dimension_semantics = [#tpu.dimension_semantics<core_parallel>, #tpu.dimension_semantics<subcore_parallel>], iteration_bounds = array<i64: 2, 16>, scalar_prefetch = 0 : i64, scratch_operands = 5 : i64, tpu.core_type = #tpu.core_type<sc_vector_subcore>, window_params = [{transform_indices = #map}, {transform_indices = #map1}, {transform_indices = #map2}]} {
    %scan3A = arith.constant 0 : i32
    %scan3A_0 = arith.constant 0 : i32
    %scan3A_1 = arith.constant 1000 : i32
    %scan3A_2 = arith.addi %scan3A_0, %scan3A_1 : i32
    %scan3A_3 = arith.constant 1 : i32
    scf.for %scan3A_72 = %scan3A_0 to %scan3A_2 step %scan3A_3  : i32 {
      %jit3A = arith.constant 8 : i32
      %div3A = arith.divsi %scan3A_72, %jit3A : i32
      %sign3A = arith.constant 0 : i32
      %sign3A_73 = arith.cmpi sgt, %scan3A_72, %sign3A : i32
      %sign3A_74 = arith.extui %sign3A_73 : i1 to i32
      %sign3A_75 = arith.constant 0 : i32
      %sign3A_76 = arith.cmpi slt, %scan3A_72, %sign3A_75 : i32
      %sign3A_77 = arith.extui %sign3A_76 : i1 to i32
      %sign3A_78 = arith.subi %sign3A_74, %sign3A_77 : i32
      %sign3A_79 = arith.constant 0 : i32
      %sign3A_80 = arith.cmpi sgt, %jit3A, %sign3A_79 : i32
      %sign3A_81 = arith.extui %sign3A_80 : i1 to i32
      %sign3A_82 = arith.constant 0 : i32
      %sign3A_83 = arith.cmpi slt, %jit3A, %sign3A_82 : i32
      %sign3A_84 = arith.extui %sign3A_83 : i1 to i32
      %sign3A_85 = arith.subi %sign3A_81, %sign3A_84 : i32
      %ne3A = arith.cmpi ne, %sign3A_78, %sign3A_85 : i32
      %rem3A = arith.remsi %scan3A_72, %jit3A : i32
      %ne3A_86 = arith.constant 0 : i32
      %ne3A_87 = arith.cmpi ne, %rem3A, %ne3A_86 : i32
      %and3A = arith.andi %ne3A, %ne3A_87 : i1
      %sub3A_88 = arith.constant 1 : i32
      %sub3A_89 = arith.subi %div3A, %sub3A_88 : i32
      %select_n3A = arith.select %and3A, %sub3A_89, %div3A : i32
      %jit3A_90 = arith.constant 8 : i32
      %eq3A_91 = arith.constant 0 : i32
      %eq3A_92 = arith.cmpi eq, %jit3A_90, %eq3A_91 : i32
      %jit3A_93 = arith.constant 1 : i32
      %select_n3A_94 = arith.select %eq3A_92, %jit3A_93, %jit3A_90 : i32
      %rem3A_95 = arith.remsi %scan3A_72, %select_n3A_94 : i32
      %ne3A_96 = arith.constant 0 : i32
      %ne3A_97 = arith.cmpi ne, %rem3A_95, %ne3A_96 : i32
      %lt3A_98 = arith.constant 0 : i32
      %lt3A_99 = arith.cmpi slt, %rem3A_95, %lt3A_98 : i32
      %lt3A_100 = arith.constant 0 : i32
      %lt3A_101 = arith.cmpi slt, %select_n3A_94, %lt3A_100 : i32
      %ne3A_102 = arith.xori %lt3A_99, %lt3A_101 : i1
      %and3A_103 = arith.andi %ne3A_102, %ne3A_97 : i1
      %add3A_104 = arith.addi %rem3A_95, %select_n3A_94 : i32
      %select_n3A_105 = arith.select %and3A_103, %add3A_104, %rem3A_95 : i32
      %broadcast_in_dim3A = arith.constant 0.000000e+00 : f32
      %broadcast_in_dim3A_106 = vector.broadcast %broadcast_in_dim3A : f32 to vector<16xf32>
      %mul3A_107 = arith.constant 16 : i32
      %mul3A_108 = arith.muli %mul3A_107, %select_n3A_105 : i32
      %swap3A = arith.constant 0 : i32
      %swap3A_109 = arith.index_cast %swap3A : i32 to index
      %swap3A_110 = arith.index_cast %select_n3A : i32 to index
      %swap3A_111 = arith.index_cast %mul3A_108 : i32 to index
      %swap3A_112 = tpu.vector_load %arg6[%swap3A_109, %swap3A_110, %swap3A_111] {strides = array<i32>} : memref<2x125x128xf32, #tpu.memory_space<vmem>>, vector<1x1x16xf32>,
      %swap3A_113 = vector.shape_cast %swap3A_112 : vector<1x1x16xf32> to vector<16xf32>
      %swap3A_114 = vector.shape_cast %broadcast_in_dim3A_106 : vector<16xf32> to vector<1x1x16xf32>
      tpu.vector_store %arg6[%swap3A_109, %swap3A_110, %swap3A_111], %swap3A_114 {strides = array<i32>} : memref<2x125x128xf32, #tpu.memory_space<vmem>>, vector<1x1x16xf32>,
    }
    %scan3A_4 = arith.constant 1000 : i32
    %mul3A = arith.constant 640 : i32
    %mul3A_5 = arith.muli %arg1, %mul3A : i32
    %add3A = arith.constant 0 : i32
    %add3A_6 = arith.addi %mul3A_5, %add3A : i32
    %run_scoped3A = arith.constant 0 : i32
    "tpu.region"() ({
      %run_scoped3A_72 = tpu.sem_alloc : memref<!tpu.dma_semaphore, #tpu.memory_space<semaphore_mem>>
      %dma_start3A_73 = arith.constant 0 : i32
      %dma_start3A_74 = arith.constant 0 : i32
      %dma_start3A_75 = tpu.memref_slice %arg6[%run_scoped3A, %dma_start3A_73, %dma_start3A_74] : memref<2x125x128xf32, #tpu.memory_space<vmem>> -> memref<1x125x128xf32, #tpu.memory_space<vmem>>
      %dma_start3A_76 = tpu.memref_squeeze %dma_start3A_75 : memref<1x125x128xf32, #tpu.memory_space<vmem>> -> memref<125x128xf32, #tpu.memory_space<vmem>>
      %dma_start3A_77 = arith.constant 0 : i32
      %dma_start3A_78 = tpu.memref_slice %arg7[%add3A_6, %dma_start3A_77] : memref<10000x128xf32, #tpu.memory_space<vmem_shared>> -> memref<125x128xf32, #tpu.memory_space<vmem_shared>>
      %dma_start3A_79 = arith.constant 0 : i32
      %dma_start3A_80 = tpu.memref_slice %arg7[%add3A_6, %dma_start3A_79] : memref<10000x128xf32, #tpu.memory_space<vmem_shared>> -> memref<125x128xf32, #tpu.memory_space<vmem_shared>>
      %dma_start3A_81 = arith.constant 0 : i32
      %dma_start3A_82 = arith.constant 0 : i32
      %dma_start3A_83 = tpu.memref_slice %arg6[%run_scoped3A, %dma_start3A_81, %dma_start3A_82] : memref<2x125x128xf32, #tpu.memory_space<vmem>> -> memref<1x125x128xf32, #tpu.memory_space<vmem>>
      %dma_start3A_84 = tpu.memref_squeeze %dma_start3A_83 : memref<1x125x128xf32, #tpu.memory_space<vmem>> -> memref<125x128xf32, #tpu.memory_space<vmem>>
      tpu.enqueue_dma source(%dma_start3A_84 : memref<125x128xf32, #tpu.memory_space<vmem>>) target(%dma_start3A_80 : memref<125x128xf32, #tpu.memory_space<vmem_shared>>) target_semaphore(%run_scoped3A_72 : memref<!tpu.dma_semaphore, #tpu.memory_space<semaphore_mem>>)
      %dma_wait3A = arith.constant 0 : i32
      %dma_wait3A_85 = arith.constant 0 : i32
      %dma_wait3A_86 = tpu.memref_slice %arg6[%run_scoped3A, %dma_wait3A, %dma_wait3A_85] : memref<2x125x128xf32, #tpu.memory_space<vmem>> -> memref<1x125x128xf32, #tpu.memory_space<vmem>>
      %dma_wait3A_87 = tpu.memref_squeeze %dma_wait3A_86 : memref<1x125x128xf32, #tpu.memory_space<vmem>> -> memref<125x128xf32, #tpu.memory_space<vmem>>
      %dma_wait3A_88 = arith.constant 0 : i32
      %dma_wait3A_89 = tpu.memref_slice %arg7[%add3A_6, %dma_wait3A_88] : memref<10000x128xf32, #tpu.memory_space<vmem_shared>> -> memref<125x128xf32, #tpu.memory_space<vmem_shared>>
      %dma_wait3A_90 = arith.constant 0 : i32
      %dma_wait3A_91 = tpu.memref_slice %arg7[%add3A_6, %dma_wait3A_90] : memref<10000x128xf32, #tpu.memory_space<vmem_shared>> -> memref<125x128xf32, #tpu.memory_space<vmem_shared>>
      %dma_wait3A_92 = arith.constant 0 : i32
      %dma_wait3A_93 = arith.constant 0 : i32
      %dma_wait3A_94 = tpu.memref_slice %arg6[%run_scoped3A, %dma_wait3A_92, %dma_wait3A_93] : memref<2x125x128xf32, #tpu.memory_space<vmem>> -> memref<1x125x128xf32, #tpu.memory_space<vmem>>
      %dma_wait3A_95 = tpu.memref_squeeze %dma_wait3A_94 : memref<1x125x128xf32, #tpu.memory_space<vmem>> -> memref<125x128xf32, #tpu.memory_space<vmem>>
      tpu.wait_dma2 semaphore(%run_scoped3A_72 : memref<!tpu.dma_semaphore, #tpu.memory_space<semaphore_mem>>) src(%dma_wait3A_95 : memref<125x128xf32, #tpu.memory_space<vmem>>) dst(%dma_wait3A_91 : memref<125x128xf32, #tpu.memory_space<vmem_shared>>)
      tpu.yield
    }) : () -> ()
    %add3A_7 = arith.constant 125 : i32
    %add3A_8 = arith.addi %mul3A_5, %add3A_7 : i32
    %run_scoped3A_9 = arith.constant 0 : i32
    "tpu.region"() ({
      %run_scoped3A_72 = tpu.sem_alloc : memref<!tpu.dma_semaphore, #tpu.memory_space<semaphore_mem>>
      %dma_start3A_73 = arith.constant 0 : i32
      %dma_start3A_74 = arith.constant 0 : i32
      %dma_start3A_75 = tpu.memref_slice %arg6[%run_scoped3A_9, %dma_start3A_73, %dma_start3A_74] : memref<2x125x128xf32, #tpu.memory_space<vmem>> -> memref<1x125x128xf32, #tpu.memory_space<vmem>>
      %dma_start3A_76 = tpu.memref_squeeze %dma_start3A_75 : memref<1x125x128xf32, #tpu.memory_space<vmem>> -> memref<125x128xf32, #tpu.memory_space<vmem>>
      %dma_start3A_77 = arith.constant 0 : i32
      %dma_start3A_78 = tpu.memref_slice %arg7[%add3A_8, %dma_start3A_77] : memref<10000x128xf32, #tpu.memory_space<vmem_shared>> -> memref<125x128xf32, #tpu.memory_space<vmem_shared>>
      %dma_start3A_79 = arith.constant 0 : i32
      %dma_start3A_80 = tpu.memref_slice %arg7[%add3A_8, %dma_start3A_79] : memref<10000x128xf32, #tpu.memory_space<vmem_shared>> -> memref<125x128xf32, #tpu.memory_space<vmem_shared>>
      %dma_start3A_81 = arith.constant 0 : i32
      %dma_start3A_82 = arith.constant 0 : i32
      %dma_start3A_83 = tpu.memref_slice %arg6[%run_scoped3A_9, %dma_start3A_81, %dma_start3A_82] : memref<2x125x128xf32, #tpu.memory_space<vmem>> -> memref<1x125x128xf32, #tpu.memory_space<vmem>>
      %dma_start3A_84 = tpu.memref_squeeze %dma_start3A_83 : memref<1x125x128xf32, #tpu.memory_space<vmem>> -> memref<125x128xf32, #tpu.memory_space<vmem>>
      tpu.enqueue_dma source(%dma_start3A_84 : memref<125x128xf32, #tpu.memory_space<vmem>>) target(%dma_start3A_80 : memref<125x128xf32, #tpu.memory_space<vmem_shared>>) target_semaphore(%run_scoped3A_72 : memref<!tpu.dma_semaphore, #tpu.memory_space<semaphore_mem>>)
      %dma_wait3A = arith.constant 0 : i32
      %dma_wait3A_85 = arith.constant 0 : i32
      %dma_wait3A_86 = tpu.memref_slice %arg6[%run_scoped3A_9, %dma_wait3A, %dma_wait3A_85] : memref<2x125x128xf32, #tpu.memory_space<vmem>> -> memref<1x125x128xf32, #tpu.memory_space<vmem>>
      %dma_wait3A_87 = tpu.memref_squeeze %dma_wait3A_86 : memref<1x125x128xf32, #tpu.memory_space<vmem>> -> memref<125x128xf32, #tpu.memory_space<vmem>>
      %dma_wait3A_88 = arith.constant 0 : i32
      %dma_wait3A_89 = tpu.memref_slice %arg7[%add3A_8, %dma_wait3A_88] : memref<10000x128xf32, #tpu.memory_space<vmem_shared>> -> memref<125x128xf32, #tpu.memory_space<vmem_shared>>
      %dma_wait3A_90 = arith.constant 0 : i32
      %dma_wait3A_91 = tpu.memref_slice %arg7[%add3A_8, %dma_wait3A_90] : memref<10000x128xf32, #tpu.memory_space<vmem_shared>> -> memref<125x128xf32, #tpu.memory_space<vmem_shared>>
      %dma_wait3A_92 = arith.constant 0 : i32
      %dma_wait3A_93 = arith.constant 0 : i32
      %dma_wait3A_94 = tpu.memref_slice %arg6[%run_scoped3A_9, %dma_wait3A_92, %dma_wait3A_93] : memref<2x125x128xf32, #tpu.memory_space<vmem>> -> memref<1x125x128xf32, #tpu.memory_space<vmem>>
      %dma_wait3A_95 = tpu.memref_squeeze %dma_wait3A_94 : memref<1x125x128xf32, #tpu.memory_space<vmem>> -> memref<125x128xf32, #tpu.memory_space<vmem>>
      tpu.wait_dma2 semaphore(%run_scoped3A_72 : memref<!tpu.dma_semaphore, #tpu.memory_space<semaphore_mem>>) src(%dma_wait3A_95 : memref<125x128xf32, #tpu.memory_space<vmem>>) dst(%dma_wait3A_91 : memref<125x128xf32, #tpu.memory_space<vmem_shared>>)
      tpu.yield
    }) : () -> ()
    %add3A_10 = arith.constant 250 : i32
    %add3A_11 = arith.addi %mul3A_5, %add3A_10 : i32
    %run_scoped3A_12 = arith.constant 0 : i32
    "tpu.region"() ({
      %run_scoped3A_72 = tpu.sem_alloc : memref<!tpu.dma_semaphore, #tpu.memory_space<semaphore_mem>>
      %dma_start3A_73 = arith.constant 0 : i32
      %dma_start3A_74 = arith.constant 0 : i32
      %dma_start3A_75 = tpu.memref_slice %arg6[%run_scoped3A_12, %dma_start3A_73, %dma_start3A_74] : memref<2x125x128xf32, #tpu.memory_space<vmem>> -> memref<1x125x128xf32, #tpu.memory_space<vmem>>
      %dma_start3A_76 = tpu.memref_squeeze %dma_start3A_75 : memref<1x125x128xf32, #tpu.memory_space<vmem>> -> memref<125x128xf32, #tpu.memory_space<vmem>>
      %dma_start3A_77 = arith.constant 0 : i32
      %dma_start3A_78 = tpu.memref_slice %arg7[%add3A_11, %dma_start3A_77] : memref<10000x128xf32, #tpu.memory_space<vmem_shared>> -> memref<125x128xf32, #tpu.memory_space<vmem_shared>>
      %dma_start3A_79 = arith.constant 0 : i32
      %dma_start3A_80 = tpu.memref_slice %arg7[%add3A_11, %dma_start3A_79] : memref<10000x128xf32, #tpu.memory_space<vmem_shared>> -> memref<125x128xf32, #tpu.memory_space<vmem_shared>>
      %dma_start3A_81 = arith.constant 0 : i32
      %dma_start3A_82 = arith.constant 0 : i32
      %dma_start3A_83 = tpu.memref_slice %arg6[%run_scoped3A_12, %dma_start3A_81, %dma_start3A_82] : memref<2x125x128xf32, #tpu.memory_space<vmem>> -> memref<1x125x128xf32, #tpu.memory_space<vmem>>
      %dma_start3A_84 = tpu.memref_squeeze %dma_start3A_83 : memref<1x125x128xf32, #tpu.memory_space<vmem>> -> memref<125x128xf32, #tpu.memory_space<vmem>>
      tpu.enqueue_dma source(%dma_start3A_84 : memref<125x128xf32, #tpu.memory_space<vmem>>) target(%dma_start3A_80 : memref<125x128xf32, #tpu.memory_space<vmem_shared>>) target_semaphore(%run_scoped3A_72 : memref<!tpu.dma_semaphore, #tpu.memory_space<semaphore_mem>>)
      %dma_wait3A = arith.constant 0 : i32
      %dma_wait3A_85 = arith.constant 0 : i32
      %dma_wait3A_86 = tpu.memref_slice %arg6[%run_scoped3A_12, %dma_wait3A, %dma_wait3A_85] : memref<2x125x128xf32, #tpu.memory_space<vmem>> -> memref<1x125x128xf32, #tpu.memory_space<vmem>>
      %dma_wait3A_87 = tpu.memref_squeeze %dma_wait3A_86 : memref<1x125x128xf32, #tpu.memory_space<vmem>> -> memref<125x128xf32, #tpu.memory_space<vmem>>
      %dma_wait3A_88 = arith.constant 0 : i32
      %dma_wait3A_89 = tpu.memref_slice %arg7[%add3A_11, %dma_wait3A_88] : memref<10000x128xf32, #tpu.memory_space<vmem_shared>> -> memref<125x128xf32, #tpu.memory_space<vmem_shared>>
      %dma_wait3A_90 = arith.constant 0 : i32
      %dma_wait3A_91 = tpu.memref_slice %arg7[%add3A_11, %dma_wait3A_90] : memref<10000x128xf32, #tpu.memory_space<vmem_shared>> -> memref<125x128xf32, #tpu.memory_space<vmem_shared>>
      %dma_wait3A_92 = arith.constant 0 : i32
      %dma_wait3A_93 = arith.constant 0 : i32
      %dma_wait3A_94 = tpu.memref_slice %arg6[%run_scoped3A_12, %dma_wait3A_92, %dma_wait3A_93] : memref<2x125x128xf32, #tpu.memory_space<vmem>> -> memref<1x125x128xf32, #tpu.memory_space<vmem>>
      %dma_wait3A_95 = tpu.memref_squeeze %dma_wait3A_94 : memref<1x125x128xf32, #tpu.memory_space<vmem>> -> memref<125x128xf32, #tpu.memory_space<vmem>>
      tpu.wait_dma2 semaphore(%run_scoped3A_72 : memref<!tpu.dma_semaphore, #tpu.memory_space<semaphore_mem>>) src(%dma_wait3A_95 : memref<125x128xf32, #tpu.memory_space<vmem>>) dst(%dma_wait3A_91 : memref<125x128xf32, #tpu.memory_space<vmem_shared>>)
      tpu.yield
    }) : () -> ()
    %add3A_13 = arith.constant 375 : i32
    %add3A_14 = arith.addi %mul3A_5, %add3A_13 : i32
    %run_scoped3A_15 = arith.constant 0 : i32
    "tpu.region"() ({
      %run_scoped3A_72 = tpu.sem_alloc : memref<!tpu.dma_semaphore, #tpu.memory_space<semaphore_mem>>
      %dma_start3A_73 = arith.constant 0 : i32
      %dma_start3A_74 = arith.constant 0 : i32
      %dma_start3A_75 = tpu.memref_slice %arg6[%run_scoped3A_15, %dma_start3A_73, %dma_start3A_74] : memref<2x125x128xf32, #tpu.memory_space<vmem>> -> memref<1x125x128xf32, #tpu.memory_space<vmem>>
      %dma_start3A_76 = tpu.memref_squeeze %dma_start3A_75 : memref<1x125x128xf32, #tpu.memory_space<vmem>> -> memref<125x128xf32, #tpu.memory_space<vmem>>
      %dma_start3A_77 = arith.constant 0 : i32
      %dma_start3A_78 = tpu.memref_slice %arg7[%add3A_14, %dma_start3A_77] : memref<10000x128xf32, #tpu.memory_space<vmem_shared>> -> memref<125x128xf32, #tpu.memory_space<vmem_shared>>
      %dma_start3A_79 = arith.constant 0 : i32
      %dma_start3A_80 = tpu.memref_slice %arg7[%add3A_14, %dma_start3A_79] : memref<10000x128xf32, #tpu.memory_space<vmem_shared>> -> memref<125x128xf32, #tpu.memory_space<vmem_shared>>
      %dma_start3A_81 = arith.constant 0 : i32
      %dma_start3A_82 = arith.constant 0 : i32
      %dma_start3A_83 = tpu.memref_slice %arg6[%run_scoped3A_15, %dma_start3A_81, %dma_start3A_82] : memref<2x125x128xf32, #tpu.memory_space<vmem>> -> memref<1x125x128xf32, #tpu.memory_space<vmem>>
      %dma_start3A_84 = tpu.memref_squeeze %dma_start3A_83 : memref<1x125x128xf32, #tpu.memory_space<vmem>> -> memref<125x128xf32, #tpu.memory_space<vmem>>
      tpu.enqueue_dma source(%dma_start3A_84 : memref<125x128xf32, #tpu.memory_space<vmem>>) target(%dma_start3A_80 : memref<125x128xf32, #tpu.memory_space<vmem_shared>>) target_semaphore(%run_scoped3A_72 : memref<!tpu.dma_semaphore, #tpu.memory_space<semaphore_mem>>)
      %dma_wait3A = arith.constant 0 : i32
      %dma_wait3A_85 = arith.constant 0 : i32
      %dma_wait3A_86 = tpu.memref_slice %arg6[%run_scoped3A_15, %dma_wait3A, %dma_wait3A_85] : memref<2x125x128xf32, #tpu.memory_space<vmem>> -> memref<1x125x128xf32, #tpu.memory_space<vmem>>
      %dma_wait3A_87 = tpu.memref_squeeze %dma_wait3A_86 : memref<1x125x128xf32, #tpu.memory_space<vmem>> -> memref<125x128xf32, #tpu.memory_space<vmem>>
      %dma_wait3A_88 = arith.constant 0 : i32
      %dma_wait3A_89 = tpu.memref_slice %arg7[%add3A_14, %dma_wait3A_88] : memref<10000x128xf32, #tpu.memory_space<vmem_shared>> -> memref<125x128xf32, #tpu.memory_space<vmem_shared>>
      %dma_wait3A_90 = arith.constant 0 : i32
      %dma_wait3A_91 = tpu.memref_slice %arg7[%add3A_14, %dma_wait3A_90] : memref<10000x128xf32, #tpu.memory_space<vmem_shared>> -> memref<125x128xf32, #tpu.memory_space<vmem_shared>>
      %dma_wait3A_92 = arith.constant 0 : i32
      %dma_wait3A_93 = arith.constant 0 : i32
      %dma_wait3A_94 = tpu.memref_slice %arg6[%run_scoped3A_15, %dma_wait3A_92, %dma_wait3A_93] : memref<2x125x128xf32, #tpu.memory_space<vmem>> -> memref<1x125x128xf32, #tpu.memory_space<vmem>>
      %dma_wait3A_95 = tpu.memref_squeeze %dma_wait3A_94 : memref<1x125x128xf32, #tpu.memory_space<vmem>> -> memref<125x128xf32, #tpu.memory_space<vmem>>
      tpu.wait_dma2 semaphore(%run_scoped3A_72 : memref<!tpu.dma_semaphore, #tpu.memory_space<semaphore_mem>>) src(%dma_wait3A_95 : memref<125x128xf32, #tpu.memory_space<vmem>>) dst(%dma_wait3A_91 : memref<125x128xf32, #tpu.memory_space<vmem_shared>>)
      tpu.yield
    }) : () -> ()
    %add3A_16 = arith.constant 500 : i32
    %add3A_17 = arith.addi %mul3A_5, %add3A_16 : i32
    %run_scoped3A_18 = arith.constant 0 : i32
    "tpu.region"() ({
      %run_scoped3A_72 = tpu.sem_alloc : memref<!tpu.dma_semaphore, #tpu.memory_space<semaphore_mem>>
      %dma_start3A_73 = arith.constant 0 : i32
      %dma_start3A_74 = arith.constant 0 : i32
      %dma_start3A_75 = tpu.memref_slice %arg6[%run_scoped3A_18, %dma_start3A_73, %dma_start3A_74] : memref<2x125x128xf32, #tpu.memory_space<vmem>> -> memref<1x125x128xf32, #tpu.memory_space<vmem>>
      %dma_start3A_76 = tpu.memref_squeeze %dma_start3A_75 : memref<1x125x128xf32, #tpu.memory_space<vmem>> -> memref<125x128xf32, #tpu.memory_space<vmem>>
      %dma_start3A_77 = arith.constant 0 : i32
      %dma_start3A_78 = tpu.memref_slice %arg7[%add3A_17, %dma_start3A_77] : memref<10000x128xf32, #tpu.memory_space<vmem_shared>> -> memref<125x128xf32, #tpu.memory_space<vmem_shared>>
      %dma_start3A_79 = arith.constant 0 : i32
      %dma_start3A_80 = tpu.memref_slice %arg7[%add3A_17, %dma_start3A_79] : memref<10000x128xf32, #tpu.memory_space<vmem_shared>> -> memref<125x128xf32, #tpu.memory_space<vmem_shared>>
      %dma_start3A_81 = arith.constant 0 : i32
      %dma_start3A_82 = arith.constant 0 : i32
      %dma_start3A_83 = tpu.memref_slice %arg6[%run_scoped3A_18, %dma_start3A_81, %dma_start3A_82] : memref<2x125x128xf32, #tpu.memory_space<vmem>> -> memref<1x125x128xf32, #tpu.memory_space<vmem>>
      %dma_start3A_84 = tpu.memref_squeeze %dma_start3A_83 : memref<1x125x128xf32, #tpu.memory_space<vmem>> -> memref<125x128xf32, #tpu.memory_space<vmem>>
      tpu.enqueue_dma source(%dma_start3A_84 : memref<125x128xf32, #tpu.memory_space<vmem>>) target(%dma_start3A_80 : memref<125x128xf32, #tpu.memory_space<vmem_shared>>) target_semaphore(%run_scoped3A_72 : memref<!tpu.dma_semaphore, #tpu.memory_space<semaphore_mem>>)
      %dma_wait3A = arith.constant 0 : i32
      %dma_wait3A_85 = arith.constant 0 : i32
      %dma_wait3A_86 = tpu.memref_slice %arg6[%run_scoped3A_18, %dma_wait3A, %dma_wait3A_85] : memref<2x125x128xf32, #tpu.memory_space<vmem>> -> memref<1x125x128xf32, #tpu.memory_space<vmem>>
      %dma_wait3A_87 = tpu.memref_squeeze %dma_wait3A_86 : memref<1x125x128xf32, #tpu.memory_space<vmem>> -> memref<125x128xf32, #tpu.memory_space<vmem>>
      %dma_wait3A_88 = arith.constant 0 : i32
      %dma_wait3A_89 = tpu.memref_slice %arg7[%add3A_17, %dma_wait3A_88] : memref<10000x128xf32, #tpu.memory_space<vmem_shared>> -> memref<125x128xf32, #tpu.memory_space<vmem_shared>>
      %dma_wait3A_90 = arith.constant 0 : i32
      %dma_wait3A_91 = tpu.memref_slice %arg7[%add3A_17, %dma_wait3A_90] : memref<10000x128xf32, #tpu.memory_space<vmem_shared>> -> memref<125x128xf32, #tpu.memory_space<vmem_shared>>
      %dma_wait3A_92 = arith.constant 0 : i32
      %dma_wait3A_93 = arith.constant 0 : i32
      %dma_wait3A_94 = tpu.memref_slice %arg6[%run_scoped3A_18, %dma_wait3A_92, %dma_wait3A_93] : memref<2x125x128xf32, #tpu.memory_space<vmem>> -> memref<1x125x128xf32, #tpu.memory_space<vmem>>
      %dma_wait3A_95 = tpu.memref_squeeze %dma_wait3A_94 : memref<1x125x128xf32, #tpu.memory_space<vmem>> -> memref<125x128xf32, #tpu.memory_space<vmem>>
      tpu.wait_dma2 semaphore(%run_scoped3A_72 : memref<!tpu.dma_semaphore, #tpu.memory_space<semaphore_mem>>) src(%dma_wait3A_95 : memref<125x128xf32, #tpu.memory_space<vmem>>) dst(%dma_wait3A_91 : memref<125x128xf32, #tpu.memory_space<vmem_shared>>)
      tpu.yield
    }) : () -> ()
    %add3A_19 = arith.constant 640 : i32
    %add3A_20 = arith.addi %mul3A_5, %add3A_19 : i32
    %sub3A = arith.constant 16 : i32
    %sub3A_21 = arith.subi %add3A_20, %sub3A : i32
    %run_scoped3A_22 = arith.constant 0 : i32
    "tpu.region"() ({
      %run_scoped3A_72 = tpu.sem_alloc : memref<!tpu.dma_semaphore, #tpu.memory_space<semaphore_mem>>
      %dma_start3A_73 = arith.constant 0 : i32
      %dma_start3A_74 = arith.constant 0 : i32
      %dma_start3A_75 = tpu.memref_slice %arg6[%run_scoped3A_22, %dma_start3A_73, %dma_start3A_74] : memref<2x125x128xf32, #tpu.memory_space<vmem>> -> memref<1x16x128xf32, #tpu.memory_space<vmem>>
      %dma_start3A_76 = tpu.memref_squeeze %dma_start3A_75 : memref<1x16x128xf32, #tpu.memory_space<vmem>> -> memref<16x128xf32, #tpu.memory_space<vmem>>
      %dma_start3A_77 = arith.constant 0 : i32
      %dma_start3A_78 = tpu.memref_slice %arg7[%sub3A_21, %dma_start3A_77] : memref<10000x128xf32, #tpu.memory_space<vmem_shared>> -> memref<16x128xf32, #tpu.memory_space<vmem_shared>>
      %dma_start3A_79 = arith.constant 0 : i32
      %dma_start3A_80 = tpu.memref_slice %arg7[%sub3A_21, %dma_start3A_79] : memref<10000x128xf32, #tpu.memory_space<vmem_shared>> -> memref<16x128xf32, #tpu.memory_space<vmem_shared>>
      %dma_start3A_81 = arith.constant 0 : i32
      %dma_start3A_82 = arith.constant 0 : i32
      %dma_start3A_83 = tpu.memref_slice %arg6[%run_scoped3A_22, %dma_start3A_81, %dma_start3A_82] : memref<2x125x128xf32, #tpu.memory_space<vmem>> -> memref<1x16x128xf32, #tpu.memory_space<vmem>>
      %dma_start3A_84 = tpu.memref_squeeze %dma_start3A_83 : memref<1x16x128xf32, #tpu.memory_space<vmem>> -> memref<16x128xf32, #tpu.memory_space<vmem>>
      tpu.enqueue_dma source(%dma_start3A_84 : memref<16x128xf32, #tpu.memory_space<vmem>>) target(%dma_start3A_80 : memref<16x128xf32, #tpu.memory_space<vmem_shared>>) target_semaphore(%run_scoped3A_72 : memref<!tpu.dma_semaphore, #tpu.memory_space<semaphore_mem>>)
      %dma_wait3A = arith.constant 0 : i32
      %dma_wait3A_85 = arith.constant 0 : i32
      %dma_wait3A_86 = tpu.memref_slice %arg6[%run_scoped3A_22, %dma_wait3A, %dma_wait3A_85] : memref<2x125x128xf32, #tpu.memory_space<vmem>> -> memref<1x16x128xf32, #tpu.memory_space<vmem>>
      %dma_wait3A_87 = tpu.memref_squeeze %dma_wait3A_86 : memref<1x16x128xf32, #tpu.memory_space<vmem>> -> memref<16x128xf32, #tpu.memory_space<vmem>>
      %dma_wait3A_88 = arith.constant 0 : i32
      %dma_wait3A_89 = tpu.memref_slice %arg7[%sub3A_21, %dma_wait3A_88] : memref<10000x128xf32, #tpu.memory_space<vmem_shared>> -> memref<16x128xf32, #tpu.memory_space<vmem_shared>>
      %dma_wait3A_90 = arith.constant 0 : i32
      %dma_wait3A_91 = tpu.memref_slice %arg7[%sub3A_21, %dma_wait3A_90] : memref<10000x128xf32, #tpu.memory_space<vmem_shared>> -> memref<16x128xf32, #tpu.memory_space<vmem_shared>>
      %dma_wait3A_92 = arith.constant 0 : i32
      %dma_wait3A_93 = arith.constant 0 : i32
      %dma_wait3A_94 = tpu.memref_slice %arg6[%run_scoped3A_22, %dma_wait3A_92, %dma_wait3A_93] : memref<2x125x128xf32, #tpu.memory_space<vmem>> -> memref<1x16x128xf32, #tpu.memory_space<vmem>>
      %dma_wait3A_95 = tpu.memref_squeeze %dma_wait3A_94 : memref<1x16x128xf32, #tpu.memory_space<vmem>> -> memref<16x128xf32, #tpu.memory_space<vmem>>
      tpu.wait_dma2 semaphore(%run_scoped3A_72 : memref<!tpu.dma_semaphore, #tpu.memory_space<semaphore_mem>>) src(%dma_wait3A_95 : memref<16x128xf32, #tpu.memory_space<vmem>>) dst(%dma_wait3A_91 : memref<16x128xf32, #tpu.memory_space<vmem_shared>>)
      tpu.yield
    }) : () -> ()
    %mul3A_23 = arith.constant 16 : i32
    %mul3A_24 = arith.muli %arg0, %mul3A_23 : i32
    %add3A_25 = arith.addi %mul3A_24, %arg1 : i32
    %barrier3A = arith.constant 0 : index
    tpu.barrier barrier_id(%barrier3A)
    %run_scoped3A_26 = arith.constant 0 : i32
    "tpu.region"() ({
      %run_scoped3A_72 = tpu.sem_alloc : memref<!tpu.dma_semaphore, #tpu.memory_space<semaphore_mem>>
      %dma_start3A_73 = arith.constant 0 : i32
      %dma_start3A_74 = arith.constant 0 : i32
      %dma_start3A_75 = arith.constant 0 : i32
      %dma_start3A_76 = tpu.memref_slice %arg3[%add3A_25, %run_scoped3A_26, %dma_start3A_73, %dma_start3A_74, %dma_start3A_75] : memref<32x2x2x40x125xi32, #tpu.memory_space<hbm>> -> memref<1x1x2x40x125xi32, #tpu.memory_space<hbm>>
      %dma_start3A_77 = tpu.memref_squeeze %dma_start3A_76 : memref<1x1x2x40x125xi32, #tpu.memory_space<hbm>> -> memref<2x40x125xi32, #tpu.memory_space<hbm>>
      %dma_start3A_78 = arith.constant 0 : i32
      %dma_start3A_79 = arith.constant 0 : i32
      %dma_start3A_80 = arith.constant 0 : i32
      %dma_start3A_81 = tpu.memref_slice %arg3[%add3A_25, %run_scoped3A_26, %dma_start3A_78, %dma_start3A_79, %dma_start3A_80] : memref<32x2x2x40x125xi32, #tpu.memory_space<hbm>> -> memref<1x1x2x40x125xi32, #tpu.memory_space<hbm>>
      %dma_start3A_82 = tpu.memref_squeeze %dma_start3A_81 : memref<1x1x2x40x125xi32, #tpu.memory_space<hbm>> -> memref<2x40x125xi32, #tpu.memory_space<hbm>>
      tpu.enqueue_dma source(%dma_start3A_82 : memref<2x40x125xi32, #tpu.memory_space<hbm>>) target(%arg5 : memref<2x40x125xi32, #tpu.memory_space<vmem>>) target_semaphore(%run_scoped3A_72 : memref<!tpu.dma_semaphore, #tpu.memory_space<semaphore_mem>>)
      %dma_wait3A = arith.constant 0 : i32
      %dma_wait3A_83 = arith.constant 0 : i32
      %dma_wait3A_84 = arith.constant 0 : i32
      %dma_wait3A_85 = tpu.memref_slice %arg3[%add3A_25, %run_scoped3A_26, %dma_wait3A, %dma_wait3A_83, %dma_wait3A_84] : memref<32x2x2x40x125xi32, #tpu.memory_space<hbm>> -> memref<1x1x2x40x125xi32, #tpu.memory_space<hbm>>
      %dma_wait3A_86 = tpu.memref_squeeze %dma_wait3A_85 : memref<1x1x2x40x125xi32, #tpu.memory_space<hbm>> -> memref<2x40x125xi32, #tpu.memory_space<hbm>>
      %dma_wait3A_87 = arith.constant 0 : i32
      %dma_wait3A_88 = arith.constant 0 : i32
      %dma_wait3A_89 = arith.constant 0 : i32
      %dma_wait3A_90 = tpu.memref_slice %arg3[%add3A_25, %run_scoped3A_26, %dma_wait3A_87, %dma_wait3A_88, %dma_wait3A_89] : memref<32x2x2x40x125xi32, #tpu.memory_space<hbm>> -> memref<1x1x2x40x125xi32, #tpu.memory_space<hbm>>
      %dma_wait3A_91 = tpu.memref_squeeze %dma_wait3A_90 : memref<1x1x2x40x125xi32, #tpu.memory_space<hbm>> -> memref<2x40x125xi32, #tpu.memory_space<hbm>>
      tpu.wait_dma2 semaphore(%run_scoped3A_72 : memref<!tpu.dma_semaphore, #tpu.memory_space<semaphore_mem>>) src(%dma_wait3A_91 : memref<2x40x125xi32, #tpu.memory_space<hbm>>) dst(%arg5 : memref<2x40x125xi32, #tpu.memory_space<vmem>>)
      tpu.yield
    }) : () -> ()
    %dma_start3A = arith.constant 0 : i32
    %dma_start3A_27 = arith.constant 0 : i32
    %dma_start3A_28 = arith.constant 0 : i32
    %dma_start3A_29 = arith.constant 0 : i32
    %dma_start3A_30 = arith.constant 0 : i32
    %dma_start3A_31 = tpu.memref_slice %arg6[%dma_start3A_28, %dma_start3A_29, %dma_start3A_30] : memref<2x125x128xf32, #tpu.memory_space<vmem>> -> memref<1x125x128xf32, #tpu.memory_space<vmem>>
    %dma_start3A_32 = tpu.memref_squeeze %dma_start3A_31 : memref<1x125x128xf32, #tpu.memory_space<vmem>> -> memref<125x128xf32, #tpu.memory_space<vmem>>
    %dma_start3A_33 = arith.constant 0 : i32
    %dma_start3A_34 = tpu.memref_slice %arg5[%dma_start3A, %dma_start3A_27, %dma_start3A_33] : memref<2x40x125xi32, #tpu.memory_space<vmem>> -> memref<1x1x125xi32, #tpu.memory_space<vmem>>
    %dma_start3A_35 = tpu.memref_squeeze %dma_start3A_34 : memref<1x1x125xi32, #tpu.memory_space<vmem>> -> memref<125xi32, #tpu.memory_space<vmem>>
    %dma_start3A_36 = arith.constant 0 : i32
    %dma_start3A_37 = arith.constant 0 : i32
    %dma_start3A_38 = tpu.memref_slice %arg2[%dma_start3A_36, %dma_start3A_37] : memref<10000x128xf32, #tpu.memory_space<hbm>> -> memref<10000x128xf32, #tpu.memory_space<hbm>>
    tpu.enqueue_indirect_dma source(%dma_start3A_38 : memref<10000x128xf32, #tpu.memory_space<hbm>>) target(%dma_start3A_32 : memref<125x128xf32, #tpu.memory_space<vmem>>) offsets(%dma_start3A_35 : memref<125xi32, #tpu.memory_space<vmem>>) semaphore(%arg8 : memref<!tpu.dma_semaphore, #tpu.memory_space<semaphore_mem>>)
    %scan3A_39 = arith.constant 0 : i32
    %scan3A_40 = arith.constant 0 : i32
    %scan3A_41 = arith.constant 20 : i32
    %scan3A_42 = arith.addi %scan3A_40, %scan3A_41 : i32
    %scan3A_43 = arith.constant 1 : i32
    scf.for %scan3A_72 = %scan3A_40 to %scan3A_42 step %scan3A_43  : i32 {
      %mul3A_73 = arith.constant 2 : i32
      %mul3A_74 = arith.muli %mul3A_73, %scan3A_72 : i32
      %add3A_75 = arith.constant 1 : i32
      %add3A_76 = arith.addi %mul3A_74, %add3A_75 : i32
      %dma_start3A_77 = arith.constant 0 : i32
      %dma_start3A_78 = arith.constant 1 : i32
      %dma_start3A_79 = arith.constant 0 : i32
      %dma_start3A_80 = arith.constant 0 : i32
      %dma_start3A_81 = tpu.memref_slice %arg6[%dma_start3A_78, %dma_start3A_79, %dma_start3A_80] : memref<2x125x128xf32, #tpu.memory_space<vmem>> -> memref<1x125x128xf32, #tpu.memory_space<vmem>>
      %dma_start3A_82 = tpu.memref_squeeze %dma_start3A_81 : memref<1x125x128xf32, #tpu.memory_space<vmem>> -> memref<125x128xf32, #tpu.memory_space<vmem>>
      %dma_start3A_83 = arith.constant 0 : i32
      %dma_start3A_84 = tpu.memref_slice %arg5[%dma_start3A_77, %add3A_76, %dma_start3A_83] : memref<2x40x125xi32, #tpu.memory_space<vmem>> -> memref<1x1x125xi32, #tpu.memory_space<vmem>>
      %dma_start3A_85 = tpu.memref_squeeze %dma_start3A_84 : memref<1x1x125xi32, #tpu.memory_space<vmem>> -> memref<125xi32, #tpu.memory_space<vmem>>
      %dma_start3A_86 = arith.constant 0 : i32
      %dma_start3A_87 = arith.constant 0 : i32
      %dma_start3A_88 = tpu.memref_slice %arg2[%dma_start3A_86, %dma_start3A_87] : memref<10000x128xf32, #tpu.memory_space<hbm>> -> memref<10000x128xf32, #tpu.memory_space<hbm>>
      tpu.enqueue_indirect_dma source(%dma_start3A_88 : memref<10000x128xf32, #tpu.memory_space<hbm>>) target(%dma_start3A_82 : memref<125x128xf32, #tpu.memory_space<vmem>>) offsets(%dma_start3A_85 : memref<125xi32, #tpu.memory_space<vmem>>) semaphore(%arg9 : memref<!tpu.dma_semaphore, #tpu.memory_space<semaphore_mem>>)
      %dma_wait3A = arith.constant 0 : i32
      %dma_wait3A_89 = arith.constant 0 : i32
      %dma_wait3A_90 = arith.constant 0 : i32
      %dma_wait3A_91 = arith.constant 0 : i32
      %dma_wait3A_92 = tpu.memref_slice %arg6[%dma_wait3A_89, %dma_wait3A_90, %dma_wait3A_91] : memref<2x125x128xf32, #tpu.memory_space<vmem>> -> memref<1x125x128xf32, #tpu.memory_space<vmem>>
      %dma_wait3A_93 = tpu.memref_squeeze %dma_wait3A_92 : memref<1x125x128xf32, #tpu.memory_space<vmem>> -> memref<125x128xf32, #tpu.memory_space<vmem>>
      %dma_wait3A_94 = arith.constant 0 : i32
      %dma_wait3A_95 = tpu.memref_slice %arg5[%dma_wait3A, %mul3A_74, %dma_wait3A_94] : memref<2x40x125xi32, #tpu.memory_space<vmem>> -> memref<1x1x125xi32, #tpu.memory_space<vmem>>
      %dma_wait3A_96 = tpu.memref_squeeze %dma_wait3A_95 : memref<1x1x125xi32, #tpu.memory_space<vmem>> -> memref<125xi32, #tpu.memory_space<vmem>>
      %dma_wait3A_97 = arith.constant 0 : i32
      %dma_wait3A_98 = arith.constant 0 : i32
      %dma_wait3A_99 = tpu.memref_slice %arg2[%dma_wait3A_97, %dma_wait3A_98] : memref<10000x128xf32, #tpu.memory_space<hbm>> -> memref<10000x128xf32, #tpu.memory_space<hbm>>
      tpu.wait_indirect_dma semaphore(%arg8 : memref<!tpu.dma_semaphore, #tpu.memory_space<semaphore_mem>>) src(%dma_wait3A_99 : memref<10000x128xf32, #tpu.memory_space<hbm>>) dst(%dma_wait3A_93 : memref<125x128xf32, #tpu.memory_space<vmem>>)
      %run_scoped3A_100 = arith.constant 0 : i32
      %run_scoped3A_101 = arith.constant 1 : i32
      "tpu.region"() ({
        %run_scoped3A_125 = tpu.sem_alloc : memref<!tpu.dma_semaphore, #tpu.memory_space<semaphore_mem>>
        %dma_start3A_126 = arith.constant 0 : i32
        %dma_start3A_127 = arith.constant 0 : i32
        %dma_start3A_128 = tpu.memref_slice %arg6[%run_scoped3A_100, %dma_start3A_126, %dma_start3A_127] : memref<2x125x128xf32, #tpu.memory_space<vmem>> -> memref<1x125x128xf32, #tpu.memory_space<vmem>>
        %dma_start3A_129 = tpu.memref_squeeze %dma_start3A_128 : memref<1x125x128xf32, #tpu.memory_space<vmem>> -> memref<125x128xf32, #tpu.memory_space<vmem>>
        %dma_start3A_130 = arith.constant 0 : i32
        %dma_start3A_131 = tpu.memref_slice %arg5[%run_scoped3A_101, %mul3A_74, %dma_start3A_130] : memref<2x40x125xi32, #tpu.memory_space<vmem>> -> memref<1x1x125xi32, #tpu.memory_space<vmem>>
        %dma_start3A_132 = tpu.memref_squeeze %dma_start3A_131 : memref<1x1x125xi32, #tpu.memory_space<vmem>> -> memref<125xi32, #tpu.memory_space<vmem>>
        %dma_start3A_133 = arith.constant 0 : i32
        %dma_start3A_134 = arith.constant 0 : i32
        %dma_start3A_135 = tpu.memref_slice %arg7[%dma_start3A_133, %dma_start3A_134] : memref<10000x128xf32, #tpu.memory_space<vmem_shared>> -> memref<10000x128xf32, #tpu.memory_space<vmem_shared>>
        tpu.enqueue_indirect_dma source(%dma_start3A_129 : memref<125x128xf32, #tpu.memory_space<vmem>>) target(%dma_start3A_135 : memref<10000x128xf32, #tpu.memory_space<vmem_shared>>) offsets(%dma_start3A_132 : memref<125xi32, #tpu.memory_space<vmem>>) semaphore(%run_scoped3A_125 : memref<!tpu.dma_semaphore, #tpu.memory_space<semaphore_mem>>) {add = true}
        %dma_wait3A_136 = arith.constant 0 : i32
        %dma_wait3A_137 = arith.constant 0 : i32
        %dma_wait3A_138 = tpu.memref_slice %arg6[%run_scoped3A_100, %dma_wait3A_136, %dma_wait3A_137] : memref<2x125x128xf32, #tpu.memory_space<vmem>> -> memref<1x125x128xf32, #tpu.memory_space<vmem>>
        %dma_wait3A_139 = tpu.memref_squeeze %dma_wait3A_138 : memref<1x125x128xf32, #tpu.memory_space<vmem>> -> memref<125x128xf32, #tpu.memory_space<vmem>>
        %dma_wait3A_140 = arith.constant 0 : i32
        %dma_wait3A_141 = tpu.memref_slice %arg5[%run_scoped3A_101, %mul3A_74, %dma_wait3A_140] : memref<2x40x125xi32, #tpu.memory_space<vmem>> -> memref<1x1x125xi32, #tpu.memory_space<vmem>>
        %dma_wait3A_142 = tpu.memref_squeeze %dma_wait3A_141 : memref<1x1x125xi32, #tpu.memory_space<vmem>> -> memref<125xi32, #tpu.memory_space<vmem>>
        %dma_wait3A_143 = arith.constant 0 : i32
        %dma_wait3A_144 = arith.constant 0 : i32
        %dma_wait3A_145 = tpu.memref_slice %arg7[%dma_wait3A_143, %dma_wait3A_144] : memref<10000x128xf32, #tpu.memory_space<vmem_shared>> -> memref<10000x128xf32, #tpu.memory_space<vmem_shared>>
        tpu.wait_indirect_dma semaphore(%run_scoped3A_125 : memref<!tpu.dma_semaphore, #tpu.memory_space<semaphore_mem>>) src(%dma_wait3A_139 : memref<125x128xf32, #tpu.memory_space<vmem>>) dst(%dma_wait3A_145 : memref<10000x128xf32, #tpu.memory_space<vmem_shared>>)
        tpu.yield
      }) : () -> ()
      %lt3A_102 = arith.constant 19 : i32
      %lt3A_103 = arith.cmpi slt, %scan3A_72, %lt3A_102 : i32
      %convert_element_type3A_104 = arith.extui %lt3A_103 : i1 to i32
      %cond3A_105 = arith.constant 0 : i32
      %cond3A_106 = arith.cmpi ne, %convert_element_type3A_104, %cond3A_105 : i32
      scf.if %cond3A_106 {
        %add3A_125 = arith.constant 2 : i32
        %add3A_126 = arith.addi %mul3A_74, %add3A_125 : i32
        %dma_start3A_127 = arith.constant 0 : i32
        %dma_start3A_128 = arith.constant 0 : i32
        %dma_start3A_129 = arith.constant 0 : i32
        %dma_start3A_130 = arith.constant 0 : i32
        %dma_start3A_131 = tpu.memref_slice %arg6[%dma_start3A_128, %dma_start3A_129, %dma_start3A_130] : memref<2x125x128xf32, #tpu.memory_space<vmem>> -> memref<1x125x128xf32, #tpu.memory_space<vmem>>
        %dma_start3A_132 = tpu.memref_squeeze %dma_start3A_131 : memref<1x125x128xf32, #tpu.memory_space<vmem>> -> memref<125x128xf32, #tpu.memory_space<vmem>>
        %dma_start3A_133 = arith.constant 0 : i32
        %dma_start3A_134 = tpu.memref_slice %arg5[%dma_start3A_127, %add3A_126, %dma_start3A_133] : memref<2x40x125xi32, #tpu.memory_space<vmem>> -> memref<1x1x125xi32, #tpu.memory_space<vmem>>
        %dma_start3A_135 = tpu.memref_squeeze %dma_start3A_134 : memref<1x1x125xi32, #tpu.memory_space<vmem>> -> memref<125xi32, #tpu.memory_space<vmem>>
        %dma_start3A_136 = arith.constant 0 : i32
        %dma_start3A_137 = arith.constant 0 : i32
        %dma_start3A_138 = tpu.memref_slice %arg2[%dma_start3A_136, %dma_start3A_137] : memref<10000x128xf32, #tpu.memory_space<hbm>> -> memref<10000x128xf32, #tpu.memory_space<hbm>>
        tpu.enqueue_indirect_dma source(%dma_start3A_138 : memref<10000x128xf32, #tpu.memory_space<hbm>>) target(%dma_start3A_132 : memref<125x128xf32, #tpu.memory_space<vmem>>) offsets(%dma_start3A_135 : memref<125xi32, #tpu.memory_space<vmem>>) semaphore(%arg8 : memref<!tpu.dma_semaphore, #tpu.memory_space<semaphore_mem>>)
      } else {
      }
      %add3A_107 = arith.constant 1 : i32
      %add3A_108 = arith.addi %mul3A_74, %add3A_107 : i32
      %dma_wait3A_109 = arith.constant 0 : i32
      %dma_wait3A_110 = arith.constant 1 : i32
      %dma_wait3A_111 = arith.constant 0 : i32
      %dma_wait3A_112 = arith.constant 0 : i32
      %dma_wait3A_113 = tpu.memref_slice %arg6[%dma_wait3A_110, %dma_wait3A_111, %dma_wait3A_112] : memref<2x125x128xf32, #tpu.memory_space<vmem>> -> memref<1x125x128xf32, #tpu.memory_space<vmem>>
      %dma_wait3A_114 = tpu.memref_squeeze %dma_wait3A_113 : memref<1x125x128xf32, #tpu.memory_space<vmem>> -> memref<125x128xf32, #tpu.memory_space<vmem>>
      %dma_wait3A_115 = arith.constant 0 : i32
      %dma_wait3A_116 = tpu.memref_slice %arg5[%dma_wait3A_109, %add3A_108, %dma_wait3A_115] : memref<2x40x125xi32, #tpu.memory_space<vmem>> -> memref<1x1x125xi32, #tpu.memory_space<vmem>>
      %dma_wait3A_117 = tpu.memref_squeeze %dma_wait3A_116 : memref<1x1x125xi32, #tpu.memory_space<vmem>> -> memref<125xi32, #tpu.memory_space<vmem>>
      %dma_wait3A_118 = arith.constant 0 : i32
      %dma_wait3A_119 = arith.constant 0 : i32
      %dma_wait3A_120 = tpu.memref_slice %arg2[%dma_wait3A_118, %dma_wait3A_119] : memref<10000x128xf32, #tpu.memory_space<hbm>> -> memref<10000x128xf32, #tpu.memory_space<hbm>>
      tpu.wait_indirect_dma semaphore(%arg9 : memref<!tpu.dma_semaphore, #tpu.memory_space<semaphore_mem>>) src(%dma_wait3A_120 : memref<10000x128xf32, #tpu.memory_space<hbm>>) dst(%dma_wait3A_114 : memref<125x128xf32, #tpu.memory_space<vmem>>)
      %add3A_121 = arith.constant 1 : i32
      %add3A_122 = arith.addi %mul3A_74, %add3A_121 : i32
      %run_scoped3A_123 = arith.constant 1 : i32
      %run_scoped3A_124 = arith.constant 1 : i32
      "tpu.region"() ({
        %run_scoped3A_125 = tpu.sem_alloc : memref<!tpu.dma_semaphore, #tpu.memory_space<semaphore_mem>>
        %dma_start3A_126 = arith.constant 0 : i32
        %dma_start3A_127 = arith.constant 0 : i32
        %dma_start3A_128 = tpu.memref_slice %arg6[%run_scoped3A_123, %dma_start3A_126, %dma_start3A_127] : memref<2x125x128xf32, #tpu.memory_space<vmem>> -> memref<1x125x128xf32, #tpu.memory_space<vmem>>
        %dma_start3A_129 = tpu.memref_squeeze %dma_start3A_128 : memref<1x125x128xf32, #tpu.memory_space<vmem>> -> memref<125x128xf32, #tpu.memory_space<vmem>>
        %dma_start3A_130 = arith.constant 0 : i32
        %dma_start3A_131 = tpu.memref_slice %arg5[%run_scoped3A_124, %add3A_122, %dma_start3A_130] : memref<2x40x125xi32, #tpu.memory_space<vmem>> -> memref<1x1x125xi32, #tpu.memory_space<vmem>>
        %dma_start3A_132 = tpu.memref_squeeze %dma_start3A_131 : memref<1x1x125xi32, #tpu.memory_space<vmem>> -> memref<125xi32, #tpu.memory_space<vmem>>
        %dma_start3A_133 = arith.constant 0 : i32
        %dma_start3A_134 = arith.constant 0 : i32
        %dma_start3A_135 = tpu.memref_slice %arg7[%dma_start3A_133, %dma_start3A_134] : memref<10000x128xf32, #tpu.memory_space<vmem_shared>> -> memref<10000x128xf32, #tpu.memory_space<vmem_shared>>
        tpu.enqueue_indirect_dma source(%dma_start3A_129 : memref<125x128xf32, #tpu.memory_space<vmem>>) target(%dma_start3A_135 : memref<10000x128xf32, #tpu.memory_space<vmem_shared>>) offsets(%dma_start3A_132 : memref<125xi32, #tpu.memory_space<vmem>>) semaphore(%run_scoped3A_125 : memref<!tpu.dma_semaphore, #tpu.memory_space<semaphore_mem>>) {add = true}
        %dma_wait3A_136 = arith.constant 0 : i32
        %dma_wait3A_137 = arith.constant 0 : i32
        %dma_wait3A_138 = tpu.memref_slice %arg6[%run_scoped3A_123, %dma_wait3A_136, %dma_wait3A_137] : memref<2x125x128xf32, #tpu.memory_space<vmem>> -> memref<1x125x128xf32, #tpu.memory_space<vmem>>
        %dma_wait3A_139 = tpu.memref_squeeze %dma_wait3A_138 : memref<1x125x128xf32, #tpu.memory_space<vmem>> -> memref<125x128xf32, #tpu.memory_space<vmem>>
        %dma_wait3A_140 = arith.constant 0 : i32
        %dma_wait3A_141 = tpu.memref_slice %arg5[%run_scoped3A_124, %add3A_122, %dma_wait3A_140] : memref<2x40x125xi32, #tpu.memory_space<vmem>> -> memref<1x1x125xi32, #tpu.memory_space<vmem>>
        %dma_wait3A_142 = tpu.memref_squeeze %dma_wait3A_141 : memref<1x1x125xi32, #tpu.memory_space<vmem>> -> memref<125xi32, #tpu.memory_space<vmem>>
        %dma_wait3A_143 = arith.constant 0 : i32
        %dma_wait3A_144 = arith.constant 0 : i32
        %dma_wait3A_145 = tpu.memref_slice %arg7[%dma_wait3A_143, %dma_wait3A_144] : memref<10000x128xf32, #tpu.memory_space<vmem_shared>> -> memref<10000x128xf32, #tpu.memory_space<vmem_shared>>
        tpu.wait_indirect_dma semaphore(%run_scoped3A_125 : memref<!tpu.dma_semaphore, #tpu.memory_space<semaphore_mem>>) src(%dma_wait3A_139 : memref<125x128xf32, #tpu.memory_space<vmem>>) dst(%dma_wait3A_145 : memref<10000x128xf32, #tpu.memory_space<vmem_shared>>)
        tpu.yield
      }) : () -> ()
    }
    %scan3A_44 = arith.constant 20 : i32
    %run_scoped3A_45 = arith.constant 1 : i32
    "tpu.region"() ({
      %run_scoped3A_72 = tpu.sem_alloc : memref<!tpu.dma_semaphore, #tpu.memory_space<semaphore_mem>>
      %dma_start3A_73 = arith.constant 0 : i32
      %dma_start3A_74 = arith.constant 0 : i32
      %dma_start3A_75 = arith.constant 0 : i32
      %dma_start3A_76 = tpu.memref_slice %arg3[%add3A_25, %run_scoped3A_45, %dma_start3A_73, %dma_start3A_74, %dma_start3A_75] : memref<32x2x2x40x125xi32, #tpu.memory_space<hbm>> -> memref<1x1x2x40x125xi32, #tpu.memory_space<hbm>>
      %dma_start3A_77 = tpu.memref_squeeze %dma_start3A_76 : memref<1x1x2x40x125xi32, #tpu.memory_space<hbm>> -> memref<2x40x125xi32, #tpu.memory_space<hbm>>
      %dma_start3A_78 = arith.constant 0 : i32
      %dma_start3A_79 = arith.constant 0 : i32
      %dma_start3A_80 = arith.constant 0 : i32
      %dma_start3A_81 = tpu.memref_slice %arg3[%add3A_25, %run_scoped3A_45, %dma_start3A_78, %dma_start3A_79, %dma_start3A_80] : memref<32x2x2x40x125xi32, #tpu.memory_space<hbm>> -> memref<1x1x2x40x125xi32, #tpu.memory_space<hbm>>
      %dma_start3A_82 = tpu.memref_squeeze %dma_start3A_81 : memref<1x1x2x40x125xi32, #tpu.memory_space<hbm>> -> memref<2x40x125xi32, #tpu.memory_space<hbm>>
      tpu.enqueue_dma source(%dma_start3A_82 : memref<2x40x125xi32, #tpu.memory_space<hbm>>) target(%arg5 : memref<2x40x125xi32, #tpu.memory_space<vmem>>) target_semaphore(%run_scoped3A_72 : memref<!tpu.dma_semaphore, #tpu.memory_space<semaphore_mem>>)
      %dma_wait3A = arith.constant 0 : i32
      %dma_wait3A_83 = arith.constant 0 : i32
      %dma_wait3A_84 = arith.constant 0 : i32
      %dma_wait3A_85 = tpu.memref_slice %arg3[%add3A_25, %run_scoped3A_45, %dma_wait3A, %dma_wait3A_83, %dma_wait3A_84] : memref<32x2x2x40x125xi32, #tpu.memory_space<hbm>> -> memref<1x1x2x40x125xi32, #tpu.memory_space<hbm>>
      %dma_wait3A_86 = tpu.memref_squeeze %dma_wait3A_85 : memref<1x1x2x40x125xi32, #tpu.memory_space<hbm>> -> memref<2x40x125xi32, #tpu.memory_space<hbm>>
      %dma_wait3A_87 = arith.constant 0 : i32
      %dma_wait3A_88 = arith.constant 0 : i32
      %dma_wait3A_89 = arith.constant 0 : i32
      %dma_wait3A_90 = tpu.memref_slice %arg3[%add3A_25, %run_scoped3A_45, %dma_wait3A_87, %dma_wait3A_88, %dma_wait3A_89] : memref<32x2x2x40x125xi32, #tpu.memory_space<hbm>> -> memref<1x1x2x40x125xi32, #tpu.memory_space<hbm>>
      %dma_wait3A_91 = tpu.memref_squeeze %dma_wait3A_90 : memref<1x1x2x40x125xi32, #tpu.memory_space<hbm>> -> memref<2x40x125xi32, #tpu.memory_space<hbm>>
      tpu.wait_dma2 semaphore(%run_scoped3A_72 : memref<!tpu.dma_semaphore, #tpu.memory_space<semaphore_mem>>) src(%dma_wait3A_91 : memref<2x40x125xi32, #tpu.memory_space<hbm>>) dst(%arg5 : memref<2x40x125xi32, #tpu.memory_space<vmem>>)
      tpu.yield
    }) : () -> ()
    %dma_start3A_46 = arith.constant 0 : i32
    %dma_start3A_47 = arith.constant 0 : i32
    %dma_start3A_48 = arith.constant 0 : i32
    %dma_start3A_49 = arith.constant 0 : i32
    %dma_start3A_50 = arith.constant 0 : i32
    %dma_start3A_51 = tpu.memref_slice %arg6[%dma_start3A_48, %dma_start3A_49, %dma_start3A_50] : memref<2x125x128xf32, #tpu.memory_space<vmem>> -> memref<1x125x128xf32, #tpu.memory_space<vmem>>
    %dma_start3A_52 = tpu.memref_squeeze %dma_start3A_51 : memref<1x125x128xf32, #tpu.memory_space<vmem>> -> memref<125x128xf32, #tpu.memory_space<vmem>>
    %dma_start3A_53 = arith.constant 0 : i32
    %dma_start3A_54 = tpu.memref_slice %arg5[%dma_start3A_46, %dma_start3A_47, %dma_start3A_53] : memref<2x40x125xi32, #tpu.memory_space<vmem>> -> memref<1x1x125xi32, #tpu.memory_space<vmem>>
    %dma_start3A_55 = tpu.memref_squeeze %dma_start3A_54 : memref<1x1x125xi32, #tpu.memory_space<vmem>> -> memref<125xi32, #tpu.memory_space<vmem>>
    %dma_start3A_56 = arith.constant 0 : i32
    %dma_start3A_57 = arith.constant 0 : i32
    %dma_start3A_58 = tpu.memref_slice %arg2[%dma_start3A_56, %dma_start3A_57] : memref<10000x128xf32, #tpu.memory_space<hbm>> -> memref<10000x128xf32, #tpu.memory_space<hbm>>
    tpu.enqueue_indirect_dma source(%dma_start3A_58 : memref<10000x128xf32, #tpu.memory_space<hbm>>) target(%dma_start3A_52 : memref<125x128xf32, #tpu.memory_space<vmem>>) offsets(%dma_start3A_55 : memref<125xi32, #tpu.memory_space<vmem>>) semaphore(%arg8 : memref<!tpu.dma_semaphore, #tpu.memory_space<semaphore_mem>>)
    %scan3A_59 = arith.constant 0 : i32
    %scan3A_60 = arith.constant 0 : i32
    %scan3A_61 = arith.constant 20 : i32
    %scan3A_62 = arith.addi %scan3A_60, %scan3A_61 : i32
    %scan3A_63 = arith.constant 1 : i32
    scf.for %scan3A_72 = %scan3A_60 to %scan3A_62 step %scan3A_63  : i32 {
      %mul3A_73 = arith.constant 2 : i32
      %mul3A_74 = arith.muli %mul3A_73, %scan3A_72 : i32
      %add3A_75 = arith.constant 1 : i32
      %add3A_76 = arith.addi %mul3A_74, %add3A_75 : i32
      %dma_start3A_77 = arith.constant 0 : i32
      %dma_start3A_78 = arith.constant 1 : i32
      %dma_start3A_79 = arith.constant 0 : i32
      %dma_start3A_80 = arith.constant 0 : i32
      %dma_start3A_81 = tpu.memref_slice %arg6[%dma_start3A_78, %dma_start3A_79, %dma_start3A_80] : memref<2x125x128xf32, #tpu.memory_space<vmem>> -> memref<1x125x128xf32, #tpu.memory_space<vmem>>
      %dma_start3A_82 = tpu.memref_squeeze %dma_start3A_81 : memref<1x125x128xf32, #tpu.memory_space<vmem>> -> memref<125x128xf32, #tpu.memory_space<vmem>>
      %dma_start3A_83 = arith.constant 0 : i32
      %dma_start3A_84 = tpu.memref_slice %arg5[%dma_start3A_77, %add3A_76, %dma_start3A_83] : memref<2x40x125xi32, #tpu.memory_space<vmem>> -> memref<1x1x125xi32, #tpu.memory_space<vmem>>
      %dma_start3A_85 = tpu.memref_squeeze %dma_start3A_84 : memref<1x1x125xi32, #tpu.memory_space<vmem>> -> memref<125xi32, #tpu.memory_space<vmem>>
      %dma_start3A_86 = arith.constant 0 : i32
      %dma_start3A_87 = arith.constant 0 : i32
      %dma_start3A_88 = tpu.memref_slice %arg2[%dma_start3A_86, %dma_start3A_87] : memref<10000x128xf32, #tpu.memory_space<hbm>> -> memref<10000x128xf32, #tpu.memory_space<hbm>>
      tpu.enqueue_indirect_dma source(%dma_start3A_88 : memref<10000x128xf32, #tpu.memory_space<hbm>>) target(%dma_start3A_82 : memref<125x128xf32, #tpu.memory_space<vmem>>) offsets(%dma_start3A_85 : memref<125xi32, #tpu.memory_space<vmem>>) semaphore(%arg9 : memref<!tpu.dma_semaphore, #tpu.memory_space<semaphore_mem>>)
      %dma_wait3A = arith.constant 0 : i32
      %dma_wait3A_89 = arith.constant 0 : i32
      %dma_wait3A_90 = arith.constant 0 : i32
      %dma_wait3A_91 = arith.constant 0 : i32
      %dma_wait3A_92 = tpu.memref_slice %arg6[%dma_wait3A_89, %dma_wait3A_90, %dma_wait3A_91] : memref<2x125x128xf32, #tpu.memory_space<vmem>> -> memref<1x125x128xf32, #tpu.memory_space<vmem>>
      %dma_wait3A_93 = tpu.memref_squeeze %dma_wait3A_92 : memref<1x125x128xf32, #tpu.memory_space<vmem>> -> memref<125x128xf32, #tpu.memory_space<vmem>>
      %dma_wait3A_94 = arith.constant 0 : i32
      %dma_wait3A_95 = tpu.memref_slice %arg5[%dma_wait3A, %mul3A_74, %dma_wait3A_94] : memref<2x40x125xi32, #tpu.memory_space<vmem>> -> memref<1x1x125xi32, #tpu.memory_space<vmem>>
      %dma_wait3A_96 = tpu.memref_squeeze %dma_wait3A_95 : memref<1x1x125xi32, #tpu.memory_space<vmem>> -> memref<125xi32, #tpu.memory_space<vmem>>
      %dma_wait3A_97 = arith.constant 0 : i32
      %dma_wait3A_98 = arith.constant 0 : i32
      %dma_wait3A_99 = tpu.memref_slice %arg2[%dma_wait3A_97, %dma_wait3A_98] : memref<10000x128xf32, #tpu.memory_space<hbm>> -> memref<10000x128xf32, #tpu.memory_space<hbm>>
      tpu.wait_indirect_dma semaphore(%arg8 : memref<!tpu.dma_semaphore, #tpu.memory_space<semaphore_mem>>) src(%dma_wait3A_99 : memref<10000x128xf32, #tpu.memory_space<hbm>>) dst(%dma_wait3A_93 : memref<125x128xf32, #tpu.memory_space<vmem>>)
      %run_scoped3A_100 = arith.constant 0 : i32
      %run_scoped3A_101 = arith.constant 1 : i32
      "tpu.region"() ({
        %run_scoped3A_125 = tpu.sem_alloc : memref<!tpu.dma_semaphore, #tpu.memory_space<semaphore_mem>>
        %dma_start3A_126 = arith.constant 0 : i32
        %dma_start3A_127 = arith.constant 0 : i32
        %dma_start3A_128 = tpu.memref_slice %arg6[%run_scoped3A_100, %dma_start3A_126, %dma_start3A_127] : memref<2x125x128xf32, #tpu.memory_space<vmem>> -> memref<1x125x128xf32, #tpu.memory_space<vmem>>
        %dma_start3A_129 = tpu.memref_squeeze %dma_start3A_128 : memref<1x125x128xf32, #tpu.memory_space<vmem>> -> memref<125x128xf32, #tpu.memory_space<vmem>>
        %dma_start3A_130 = arith.constant 0 : i32
        %dma_start3A_131 = tpu.memref_slice %arg5[%run_scoped3A_101, %mul3A_74, %dma_start3A_130] : memref<2x40x125xi32, #tpu.memory_space<vmem>> -> memref<1x1x125xi32, #tpu.memory_space<vmem>>
        %dma_start3A_132 = tpu.memref_squeeze %dma_start3A_131 : memref<1x1x125xi32, #tpu.memory_space<vmem>> -> memref<125xi32, #tpu.memory_space<vmem>>
        %dma_start3A_133 = arith.constant 0 : i32
        %dma_start3A_134 = arith.constant 0 : i32
        %dma_start3A_135 = tpu.memref_slice %arg7[%dma_start3A_133, %dma_start3A_134] : memref<10000x128xf32, #tpu.memory_space<vmem_shared>> -> memref<10000x128xf32, #tpu.memory_space<vmem_shared>>
        tpu.enqueue_indirect_dma source(%dma_start3A_129 : memref<125x128xf32, #tpu.memory_space<vmem>>) target(%dma_start3A_135 : memref<10000x128xf32, #tpu.memory_space<vmem_shared>>) offsets(%dma_start3A_132 : memref<125xi32, #tpu.memory_space<vmem>>) semaphore(%run_scoped3A_125 : memref<!tpu.dma_semaphore, #tpu.memory_space<semaphore_mem>>) {add = true}
        %dma_wait3A_136 = arith.constant 0 : i32
        %dma_wait3A_137 = arith.constant 0 : i32
        %dma_wait3A_138 = tpu.memref_slice %arg6[%run_scoped3A_100, %dma_wait3A_136, %dma_wait3A_137] : memref<2x125x128xf32, #tpu.memory_space<vmem>> -> memref<1x125x128xf32, #tpu.memory_space<vmem>>
        %dma_wait3A_139 = tpu.memref_squeeze %dma_wait3A_138 : memref<1x125x128xf32, #tpu.memory_space<vmem>> -> memref<125x128xf32, #tpu.memory_space<vmem>>
        %dma_wait3A_140 = arith.constant 0 : i32
        %dma_wait3A_141 = tpu.memref_slice %arg5[%run_scoped3A_101, %mul3A_74, %dma_wait3A_140] : memref<2x40x125xi32, #tpu.memory_space<vmem>> -> memref<1x1x125xi32, #tpu.memory_space<vmem>>
        %dma_wait3A_142 = tpu.memref_squeeze %dma_wait3A_141 : memref<1x1x125xi32, #tpu.memory_space<vmem>> -> memref<125xi32, #tpu.memory_space<vmem>>
        %dma_wait3A_143 = arith.constant 0 : i32
        %dma_wait3A_144 = arith.constant 0 : i32
        %dma_wait3A_145 = tpu.memref_slice %arg7[%dma_wait3A_143, %dma_wait3A_144] : memref<10000x128xf32, #tpu.memory_space<vmem_shared>> -> memref<10000x128xf32, #tpu.memory_space<vmem_shared>>
        tpu.wait_indirect_dma semaphore(%run_scoped3A_125 : memref<!tpu.dma_semaphore, #tpu.memory_space<semaphore_mem>>) src(%dma_wait3A_139 : memref<125x128xf32, #tpu.memory_space<vmem>>) dst(%dma_wait3A_145 : memref<10000x128xf32, #tpu.memory_space<vmem_shared>>)
        tpu.yield
      }) : () -> ()
      %lt3A_102 = arith.constant 19 : i32
      %lt3A_103 = arith.cmpi slt, %scan3A_72, %lt3A_102 : i32
      %convert_element_type3A_104 = arith.extui %lt3A_103 : i1 to i32
      %cond3A_105 = arith.constant 0 : i32
      %cond3A_106 = arith.cmpi ne, %convert_element_type3A_104, %cond3A_105 : i32
      scf.if %cond3A_106 {
        %add3A_125 = arith.constant 2 : i32
        %add3A_126 = arith.addi %mul3A_74, %add3A_125 : i32
        %dma_start3A_127 = arith.constant 0 : i32
        %dma_start3A_128 = arith.constant 0 : i32
        %dma_start3A_129 = arith.constant 0 : i32
        %dma_start3A_130 = arith.constant 0 : i32
        %dma_start3A_131 = tpu.memref_slice %arg6[%dma_start3A_128, %dma_start3A_129, %dma_start3A_130] : memref<2x125x128xf32, #tpu.memory_space<vmem>> -> memref<1x125x128xf32, #tpu.memory_space<vmem>>
        %dma_start3A_132 = tpu.memref_squeeze %dma_start3A_131 : memref<1x125x128xf32, #tpu.memory_space<vmem>> -> memref<125x128xf32, #tpu.memory_space<vmem>>
        %dma_start3A_133 = arith.constant 0 : i32
        %dma_start3A_134 = tpu.memref_slice %arg5[%dma_start3A_127, %add3A_126, %dma_start3A_133] : memref<2x40x125xi32, #tpu.memory_space<vmem>> -> memref<1x1x125xi32, #tpu.memory_space<vmem>>
        %dma_start3A_135 = tpu.memref_squeeze %dma_start3A_134 : memref<1x1x125xi32, #tpu.memory_space<vmem>> -> memref<125xi32, #tpu.memory_space<vmem>>
        %dma_start3A_136 = arith.constant 0 : i32
        %dma_start3A_137 = arith.constant 0 : i32
        %dma_start3A_138 = tpu.memref_slice %arg2[%dma_start3A_136, %dma_start3A_137] : memref<10000x128xf32, #tpu.memory_space<hbm>> -> memref<10000x128xf32, #tpu.memory_space<hbm>>
        tpu.enqueue_indirect_dma source(%dma_start3A_138 : memref<10000x128xf32, #tpu.memory_space<hbm>>) target(%dma_start3A_132 : memref<125x128xf32, #tpu.memory_space<vmem>>) offsets(%dma_start3A_135 : memref<125xi32, #tpu.memory_space<vmem>>) semaphore(%arg8 : memref<!tpu.dma_semaphore, #tpu.memory_space<semaphore_mem>>)
      } else {
      }
      %add3A_107 = arith.constant 1 : i32
      %add3A_108 = arith.addi %mul3A_74, %add3A_107 : i32
      %dma_wait3A_109 = arith.constant 0 : i32
      %dma_wait3A_110 = arith.constant 1 : i32
      %dma_wait3A_111 = arith.constant 0 : i32
      %dma_wait3A_112 = arith.constant 0 : i32
      %dma_wait3A_113 = tpu.memref_slice %arg6[%dma_wait3A_110, %dma_wait3A_111, %dma_wait3A_112] : memref<2x125x128xf32, #tpu.memory_space<vmem>> -> memref<1x125x128xf32, #tpu.memory_space<vmem>>
      %dma_wait3A_114 = tpu.memref_squeeze %dma_wait3A_113 : memref<1x125x128xf32, #tpu.memory_space<vmem>> -> memref<125x128xf32, #tpu.memory_space<vmem>>
      %dma_wait3A_115 = arith.constant 0 : i32
      %dma_wait3A_116 = tpu.memref_slice %arg5[%dma_wait3A_109, %add3A_108, %dma_wait3A_115] : memref<2x40x125xi32, #tpu.memory_space<vmem>> -> memref<1x1x125xi32, #tpu.memory_space<vmem>>
      %dma_wait3A_117 = tpu.memref_squeeze %dma_wait3A_116 : memref<1x1x125xi32, #tpu.memory_space<vmem>> -> memref<125xi32, #tpu.memory_space<vmem>>
      %dma_wait3A_118 = arith.constant 0 : i32
      %dma_wait3A_119 = arith.constant 0 : i32
      %dma_wait3A_120 = tpu.memref_slice %arg2[%dma_wait3A_118, %dma_wait3A_119] : memref<10000x128xf32, #tpu.memory_space<hbm>> -> memref<10000x128xf32, #tpu.memory_space<hbm>>
      tpu.wait_indirect_dma semaphore(%arg9 : memref<!tpu.dma_semaphore, #tpu.memory_space<semaphore_mem>>) src(%dma_wait3A_120 : memref<10000x128xf32, #tpu.memory_space<hbm>>) dst(%dma_wait3A_114 : memref<125x128xf32, #tpu.memory_space<vmem>>)
      %add3A_121 = arith.constant 1 : i32
      %add3A_122 = arith.addi %mul3A_74, %add3A_121 : i32
      %run_scoped3A_123 = arith.constant 1 : i32
      %run_scoped3A_124 = arith.constant 1 : i32
      "tpu.region"() ({
        %run_scoped3A_125 = tpu.sem_alloc : memref<!tpu.dma_semaphore, #tpu.memory_space<semaphore_mem>>
        %dma_start3A_126 = arith.constant 0 : i32
        %dma_start3A_127 = arith.constant 0 : i32
        %dma_start3A_128 = tpu.memref_slice %arg6[%run_scoped3A_123, %dma_start3A_126, %dma_start3A_127] : memref<2x125x128xf32, #tpu.memory_space<vmem>> -> memref<1x125x128xf32, #tpu.memory_space<vmem>>
        %dma_start3A_129 = tpu.memref_squeeze %dma_start3A_128 : memref<1x125x128xf32, #tpu.memory_space<vmem>> -> memref<125x128xf32, #tpu.memory_space<vmem>>
        %dma_start3A_130 = arith.constant 0 : i32
        %dma_start3A_131 = tpu.memref_slice %arg5[%run_scoped3A_124, %add3A_122, %dma_start3A_130] : memref<2x40x125xi32, #tpu.memory_space<vmem>> -> memref<1x1x125xi32, #tpu.memory_space<vmem>>
        %dma_start3A_132 = tpu.memref_squeeze %dma_start3A_131 : memref<1x1x125xi32, #tpu.memory_space<vmem>> -> memref<125xi32, #tpu.memory_space<vmem>>
        %dma_start3A_133 = arith.constant 0 : i32
        %dma_start3A_134 = arith.constant 0 : i32
        %dma_start3A_135 = tpu.memref_slice %arg7[%dma_start3A_133, %dma_start3A_134] : memref<10000x128xf32, #tpu.memory_space<vmem_shared>> -> memref<10000x128xf32, #tpu.memory_space<vmem_shared>>
        tpu.enqueue_indirect_dma source(%dma_start3A_129 : memref<125x128xf32, #tpu.memory_space<vmem>>) target(%dma_start3A_135 : memref<10000x128xf32, #tpu.memory_space<vmem_shared>>) offsets(%dma_start3A_132 : memref<125xi32, #tpu.memory_space<vmem>>) semaphore(%run_scoped3A_125 : memref<!tpu.dma_semaphore, #tpu.memory_space<semaphore_mem>>) {add = true}
        %dma_wait3A_136 = arith.constant 0 : i32
        %dma_wait3A_137 = arith.constant 0 : i32
        %dma_wait3A_138 = tpu.memref_slice %arg6[%run_scoped3A_123, %dma_wait3A_136, %dma_wait3A_137] : memref<2x125x128xf32, #tpu.memory_space<vmem>> -> memref<1x125x128xf32, #tpu.memory_space<vmem>>
        %dma_wait3A_139 = tpu.memref_squeeze %dma_wait3A_138 : memref<1x125x128xf32, #tpu.memory_space<vmem>> -> memref<125x128xf32, #tpu.memory_space<vmem>>
        %dma_wait3A_140 = arith.constant 0 : i32
        %dma_wait3A_141 = tpu.memref_slice %arg5[%run_scoped3A_124, %add3A_122, %dma_wait3A_140] : memref<2x40x125xi32, #tpu.memory_space<vmem>> -> memref<1x1x125xi32, #tpu.memory_space<vmem>>
        %dma_wait3A_142 = tpu.memref_squeeze %dma_wait3A_141 : memref<1x1x125xi32, #tpu.memory_space<vmem>> -> memref<125xi32, #tpu.memory_space<vmem>>
        %dma_wait3A_143 = arith.constant 0 : i32
        %dma_wait3A_144 = arith.constant 0 : i32
        %dma_wait3A_145 = tpu.memref_slice %arg7[%dma_wait3A_143, %dma_wait3A_144] : memref<10000x128xf32, #tpu.memory_space<vmem_shared>> -> memref<10000x128xf32, #tpu.memory_space<vmem_shared>>
        tpu.wait_indirect_dma semaphore(%run_scoped3A_125 : memref<!tpu.dma_semaphore, #tpu.memory_space<semaphore_mem>>) src(%dma_wait3A_139 : memref<125x128xf32, #tpu.memory_space<vmem>>) dst(%dma_wait3A_145 : memref<10000x128xf32, #tpu.memory_space<vmem_shared>>)
        tpu.yield
      }) : () -> ()
    }
    %scan3A_64 = arith.constant 20 : i32
    %barrier3A_65 = arith.constant 0 : index
    tpu.barrier barrier_id(%barrier3A_65)
    %lt3A = arith.constant 15 : i32
    %lt3A_66 = arith.cmpi slt, %arg1, %lt3A : i32
    %convert_element_type3A = arith.extui %lt3A_66 : i1 to i32
    %cond3A = arith.constant 0 : i32
    %cond3A_67 = arith.cmpi ne, %convert_element_type3A, %cond3A : i32
    scf.if %cond3A_67 {
      %mul3A_72 = arith.constant 640 : i32
      %mul3A_73 = arith.muli %arg1, %mul3A_72 : i32
      %mul3A_74 = arith.constant 640 : i32
      %mul3A_75 = arith.muli %arg1, %mul3A_74 : i32
      "tpu.region"() ({
        %run_scoped3A_76 = tpu.sem_alloc : memref<!tpu.dma_semaphore, #tpu.memory_space<semaphore_mem>>
        %dma_start3A_77 = arith.constant 0 : i32
        %dma_start3A_78 = tpu.memref_slice %arg4[%arg0, %mul3A_75, %dma_start3A_77] : memref<2x10000x128xf32, #tpu.memory_space<hbm>> -> memref<1x640x128xf32, #tpu.memory_space<hbm>>
        %dma_start3A_79 = tpu.memref_squeeze %dma_start3A_78 : memref<1x640x128xf32, #tpu.memory_space<hbm>> -> memref<640x128xf32, #tpu.memory_space<hbm>>
        %dma_start3A_80 = arith.constant 0 : i32
        %dma_start3A_81 = tpu.memref_slice %arg7[%mul3A_73, %dma_start3A_80] : memref<10000x128xf32, #tpu.memory_space<vmem_shared>> -> memref<640x128xf32, #tpu.memory_space<vmem_shared>>
        tpu.enqueue_dma source(%dma_start3A_81 : memref<640x128xf32, #tpu.memory_space<vmem_shared>>) target(%dma_start3A_79 : memref<640x128xf32, #tpu.memory_space<hbm>>) target_semaphore(%run_scoped3A_76 : memref<!tpu.dma_semaphore, #tpu.memory_space<semaphore_mem>>)
        %dma_wait3A = arith.constant 0 : i32
        %dma_wait3A_82 = tpu.memref_slice %arg4[%arg0, %mul3A_75, %dma_wait3A] : memref<2x10000x128xf32, #tpu.memory_space<hbm>> -> memref<1x640x128xf32, #tpu.memory_space<hbm>>
        %dma_wait3A_83 = tpu.memref_squeeze %dma_wait3A_82 : memref<1x640x128xf32, #tpu.memory_space<hbm>> -> memref<640x128xf32, #tpu.memory_space<hbm>>
        %dma_wait3A_84 = arith.constant 0 : i32
        %dma_wait3A_85 = tpu.memref_slice %arg7[%mul3A_73, %dma_wait3A_84] : memref<10000x128xf32, #tpu.memory_space<vmem_shared>> -> memref<640x128xf32, #tpu.memory_space<vmem_shared>>
        tpu.wait_dma2 semaphore(%run_scoped3A_76 : memref<!tpu.dma_semaphore, #tpu.memory_space<semaphore_mem>>) src(%dma_wait3A_85 : memref<640x128xf32, #tpu.memory_space<vmem_shared>>) dst(%dma_wait3A_83 : memref<640x128xf32, #tpu.memory_space<hbm>>)
        tpu.yield
      }) : () -> ()
    } else {
    }
    %eq3A = arith.constant 15 : i32
    %eq3A_68 = arith.cmpi eq, %arg1, %eq3A : i32
    %convert_element_type3A_69 = arith.extui %eq3A_68 : i1 to i32
    %cond3A_70 = arith.constant 0 : i32
    %cond3A_71 = arith.cmpi ne, %convert_element_type3A_69, %cond3A_70 : i32
    scf.if %cond3A_71 {
      "tpu.region"() ({
        %run_scoped3A_72 = tpu.sem_alloc : memref<!tpu.dma_semaphore, #tpu.memory_space<semaphore_mem>>
        %dma_start3A_73 = arith.constant 9600 : i32
        %dma_start3A_74 = arith.constant 0 : i32
        %dma_start3A_75 = tpu.memref_slice %arg4[%arg0, %dma_start3A_73, %dma_start3A_74] : memref<2x10000x128xf32, #tpu.memory_space<hbm>> -> memref<1x400x128xf32, #tpu.memory_space<hbm>>
        %dma_start3A_76 = tpu.memref_squeeze %dma_start3A_75 : memref<1x400x128xf32, #tpu.memory_space<hbm>> -> memref<400x128xf32, #tpu.memory_space<hbm>>
        %dma_start3A_77 = arith.constant 9600 : i32
        %dma_start3A_78 = arith.constant 0 : i32
        %dma_start3A_79 = tpu.memref_slice %arg7[%dma_start3A_77, %dma_start3A_78] : memref<10000x128xf32, #tpu.memory_space<vmem_shared>> -> memref<400x128xf32, #tpu.memory_space<vmem_shared>>
        tpu.enqueue_dma source(%dma_start3A_79 : memref<400x128xf32, #tpu.memory_space<vmem_shared>>) target(%dma_start3A_76 : memref<400x128xf32, #tpu.memory_space<hbm>>) target_semaphore(%run_scoped3A_72 : memref<!tpu.dma_semaphore, #tpu.memory_space<semaphore_mem>>)
        %dma_wait3A = arith.constant 9600 : i32
        %dma_wait3A_80 = arith.constant 0 : i32
        %dma_wait3A_81 = tpu.memref_slice %arg4[%arg0, %dma_wait3A, %dma_wait3A_80] : memref<2x10000x128xf32, #tpu.memory_space<hbm>> -> memref<1x400x128xf32, #tpu.memory_space<hbm>>
        %dma_wait3A_82 = tpu.memref_squeeze %dma_wait3A_81 : memref<1x400x128xf32, #tpu.memory_space<hbm>> -> memref<400x128xf32, #tpu.memory_space<hbm>>
        %dma_wait3A_83 = arith.constant 9600 : i32
        %dma_wait3A_84 = arith.constant 0 : i32
        %dma_wait3A_85 = tpu.memref_slice %arg7[%dma_wait3A_83, %dma_wait3A_84] : memref<10000x128xf32, #tpu.memory_space<vmem_shared>> -> memref<400x128xf32, #tpu.memory_space<vmem_shared>>
        tpu.wait_dma2 semaphore(%run_scoped3A_72 : memref<!tpu.dma_semaphore, #tpu.memory_space<semaphore_mem>>) src(%dma_wait3A_85 : memref<400x128xf32, #tpu.memory_space<vmem_shared>>) dst(%dma_wait3A_82 : memref<400x128xf32, #tpu.memory_space<hbm>>)
        tpu.yield
      }) : () -> ()
    } else {
    }
    return
  }
}

module attributes {stable_mosaic.version = 14 : i64} {
  func.func @_dense1_body(%arg0: i32, %arg1: memref<2000x128xf32, #tpu.memory_space<vmem>>, %arg2: memref<128x128xf32, #tpu.memory_space<vmem>>, %arg3: memref<2x2000x1xf32, #tpu.memory_space<vmem>>, %arg4: memref<2000x128xf32, #tpu.memory_space<vmem>>, %arg5: memref<2000x1xf32, #tpu.memory_space<vmem>>) attributes {dimension_semantics = [#tpu.dimension_semantics<arbitrary>], iteration_bounds = array<i64: 5>, scalar_prefetch = 0 : i64, scratch_operands = 0 : i64, tpu.core_type = #tpu.core_type<tc>, window_params = [{transform_indices = @transform_0, window_bounds = array<i64: 2000, 128>}, {pipeline_mode = #tpu.pipeline_mode<synchronous>, transform_indices = @transform_1, window_bounds = array<i64: 128, 128>}, {transform_indices = @transform_2, window_bounds = array<i64: 2, 2000, 1>}, {transform_indices = @transform_3, window_bounds = array<i64: 2000, 128>}, {transform_indices = @transform_4, window_bounds = array<i64: 2000, 1>}]} {
    %get3A = arith.constant 0 : index
    %get3A_0 = arith.constant 0 : index
    %get3A_1 = arith.constant 0 : index
    %get3A_2 = vector.load %arg3[%get3A, %get3A_0, %get3A_1] : memref<2x2000x1xf32, #tpu.memory_space<vmem>>, vector<1x2000x1xf32>
    %get3A_3 = vector.shape_cast %get3A_2 : vector<1x2000x1xf32> to vector<2000x1xf32>
    %get3A_4 = arith.constant 1 : index
    %get3A_5 = arith.constant 0 : index
    %get3A_6 = arith.constant 0 : index
    %get3A_7 = vector.load %arg3[%get3A_4, %get3A_5, %get3A_6] : memref<2x2000x1xf32, #tpu.memory_space<vmem>>, vector<1x2000x1xf32>
    %get3A_8 = vector.shape_cast %get3A_7 : vector<1x2000x1xf32> to vector<2000x1xf32>
    %add3A = arith.addf %get3A_3, %get3A_8 : vector<2000x1xf32>
    %add3A_9 = arith.constant 1.000000e+00 : f32
    %add3A_10 = vector.broadcast %add3A_9 : f32 to vector<2000x1xf32>
    %add3A_11 = arith.addf %add3A, %add3A_10 : vector<2000x1xf32>
    %rsqrt3A = math.rsqrt %add3A_11 : vector<2000x1xf32>
    %get3A_12 = arith.constant 0 : index
    %get3A_13 = arith.constant 0 : index
    %get3A_14 = vector.load %arg1[%get3A_12, %get3A_13] : memref<2000x128xf32, #tpu.memory_space<vmem>>, vector<2000x128xf32>
    %get3A_15 = arith.constant 0 : index
    %get3A_16 = arith.constant 0 : index
    %get3A_17 = vector.load %arg2[%get3A_15, %get3A_16] : memref<128x128xf32, #tpu.memory_space<vmem>>, vector<128x128xf32>
    %dot_general3A = arith.constant dense<0.000000e+00> : vector<2000x128xf32>
    %dot_general3A_18 = tpu.matmul %get3A_14, %get3A_17, %dot_general3A {dimension_numbers = #tpu.dot_dimension_numbers<[1], [0], [0], [1], [0, 0, 1, 1], [], []>, precision = #tpu.contract_precision<fp32>, transpose_lhs_hint = false} : vector<2000x128xf32>, vector<128x128xf32>, vector<2000x128xf32> -> vector<2000x128xf32>
    %mul3A = vector.broadcast %rsqrt3A : vector<2000x1xf32> to vector<2000x128xf32>
    %mul3A_19 = arith.mulf %dot_general3A_18, %mul3A : vector<2000x128xf32>
    %swap3A = arith.constant 0 : index
    %swap3A_20 = arith.constant 0 : index
    %swap3A_21 = vector.load %arg4[%swap3A, %swap3A_20] : memref<2000x128xf32, #tpu.memory_space<vmem>>, vector<2000x128xf32>
    tpu.vector_store %arg4[%swap3A, %swap3A_20], %mul3A_19 {strides = array<i32>} : memref<2000x128xf32, #tpu.memory_space<vmem>>, vector<2000x128xf32>,
    %swap3A_22 = arith.constant 0 : index
    %swap3A_23 = arith.constant 0 : index
    %swap3A_24 = vector.load %arg5[%swap3A_22, %swap3A_23] : memref<2000x1xf32, #tpu.memory_space<vmem>>, vector<2000x1xf32>
    tpu.vector_store %arg5[%swap3A_22, %swap3A_23], %rsqrt3A {strides = array<i32>} : memref<2000x1xf32, #tpu.memory_space<vmem>>, vector<2000x1xf32>,
    return
  }
  func.func @transform_0(%arg0: i32) -> (i32, i32) {
    %c0_i32 = arith.constant 0 : i32
    %c0_i32_0 = arith.constant 0 : i32
    return %arg0, %c0_i32 : i32, i32
  }
  func.func @transform_1(%arg0: i32) -> (i32, i32) {
    %c0_i32 = arith.constant 0 : i32
    %c0_i32_0 = arith.constant 0 : i32
    %c0_i32_1 = arith.constant 0 : i32
    return %c0_i32, %c0_i32_0 : i32, i32
  }
  func.func @transform_2(%arg0: i32) -> (i32, i32, i32) {
    %c0_i32 = arith.constant 0 : i32
    %c0_i32_0 = arith.constant 0 : i32
    %c0_i32_1 = arith.constant 0 : i32
    return %c0_i32, %arg0, %c0_i32_0 : i32, i32, i32
  }
  func.func @transform_3(%arg0: i32) -> (i32, i32) {
    %c0_i32 = arith.constant 0 : i32
    %c0_i32_0 = arith.constant 0 : i32
    return %arg0, %c0_i32 : i32, i32
  }
  func.func @transform_4(%arg0: i32) -> (i32, i32) {
    %c0_i32 = arith.constant 0 : i32
    %c0_i32_0 = arith.constant 0 : i32
    return %arg0, %c0_i32 : i32, i32
  }
}

module attributes {stable_mosaic.version = 14 : i64} {
  func.func @_dense2_body(%arg0: i32, %arg1: memref<2x2000x128xf32, #tpu.memory_space<vmem>>, %arg2: memref<2000x128xf32, #tpu.memory_space<vmem>>, %arg3: memref<2000x1xf32, #tpu.memory_space<vmem>>, %arg4: memref<1x128xf32, #tpu.memory_space<vmem>>, %arg5: memref<1x128xf32, #tpu.memory_space<vmem>>, %arg6: memref<1x128xf32, #tpu.memory_space<vmem>>, %arg7: memref<2000x128xf32, #tpu.memory_space<vmem>>, %arg8: memref<2000x128xf32, #tpu.memory_space<vmem>>) attributes {dimension_semantics = [#tpu.dimension_semantics<arbitrary>], iteration_bounds = array<i64: 5>, scalar_prefetch = 0 : i64, scratch_operands = 0 : i64, tpu.core_type = #tpu.core_type<tc>, window_params = [{transform_indices = @transform_0, window_bounds = array<i64: 2, 2000, 128>}, {transform_indices = @transform_1, window_bounds = array<i64: 2000, 128>}, {transform_indices = @transform_2, window_bounds = array<i64: 2000, 1>}, {pipeline_mode = #tpu.pipeline_mode<synchronous>, transform_indices = @transform_3, window_bounds = array<i64: 1, 128>}, {pipeline_mode = #tpu.pipeline_mode<synchronous>, transform_indices = @transform_4, window_bounds = array<i64: 1, 128>}, {pipeline_mode = #tpu.pipeline_mode<synchronous>, transform_indices = @transform_5, window_bounds = array<i64: 1, 128>}, {transform_indices = @transform_6, window_bounds = array<i64: 2000, 128>}, {transform_indices = @transform_7, window_bounds = array<i64: 2000, 128>}]} {
    %get3A = arith.constant 0 : index
    %get3A_0 = arith.constant 0 : index
    %get3A_1 = arith.constant 0 : index
    %get3A_2 = vector.load %arg1[%get3A, %get3A_0, %get3A_1] : memref<2x2000x128xf32, #tpu.memory_space<vmem>>, vector<1x2000x128xf32>
    %get3A_3 = vector.shape_cast %get3A_2 : vector<1x2000x128xf32> to vector<2000x128xf32>
    %get3A_4 = arith.constant 1 : index
    %get3A_5 = arith.constant 0 : index
    %get3A_6 = arith.constant 0 : index
    %get3A_7 = vector.load %arg1[%get3A_4, %get3A_5, %get3A_6] : memref<2x2000x128xf32, #tpu.memory_space<vmem>>, vector<1x2000x128xf32>
    %get3A_8 = vector.shape_cast %get3A_7 : vector<1x2000x128xf32> to vector<2000x128xf32>
    %add3A = arith.addf %get3A_3, %get3A_8 : vector<2000x128xf32>
    %get3A_9 = arith.constant 0 : index
    %get3A_10 = arith.constant 0 : index
    %get3A_11 = vector.load %arg2[%get3A_9, %get3A_10] : memref<2000x128xf32, #tpu.memory_space<vmem>>, vector<2000x128xf32>
    %add3A_12 = arith.addf %add3A, %get3A_11 : vector<2000x128xf32>
    %get3A_13 = arith.constant 0 : index
    %get3A_14 = arith.constant 0 : index
    %get3A_15 = vector.load %arg3[%get3A_13, %get3A_14] : memref<2000x1xf32, #tpu.memory_space<vmem>>, vector<2000x1xf32>
    %mul3A = vector.broadcast %get3A_15 : vector<2000x1xf32> to vector<2000x128xf32>
    %mul3A_16 = arith.mulf %add3A_12, %mul3A : vector<2000x128xf32>
    %get3A_17 = arith.constant 0 : index
    %get3A_18 = arith.constant 0 : index
    %get3A_19 = vector.load %arg4[%get3A_17, %get3A_18] : memref<1x128xf32, #tpu.memory_space<vmem>>, vector<1x128xf32>
    %add3A_20 = vector.broadcast %get3A_19 : vector<1x128xf32> to vector<2000x128xf32>
    %add3A_21 = arith.addf %mul3A_16, %add3A_20 : vector<2000x128xf32>
    %reduce_sum3A = arith.constant dense<0.000000e+00> : vector<2000xf32>
    %reduce_sum3A_22 = vector.multi_reduction <add>, %add3A_21, %reduce_sum3A [1] : vector<2000x128xf32> to vector<2000xf32>
    %broadcast_in_dim3A = vector.shape_cast %reduce_sum3A_22 : vector<2000xf32> to vector<2000x1xf32>
    %div3A = arith.constant 1.280000e+02 : f32
    %div3A_23 = vector.broadcast %div3A : f32 to vector<2000x1xf32>
    %div3A_24 = arith.divf %broadcast_in_dim3A, %div3A_23 : vector<2000x1xf32>
    %sub3A = vector.broadcast %div3A_24 : vector<2000x1xf32> to vector<2000x128xf32>
    %sub3A_25 = arith.subf %add3A_21, %sub3A : vector<2000x128xf32>
    %mul3A_26 = arith.mulf %sub3A_25, %sub3A_25 : vector<2000x128xf32>
    %reduce_sum3A_27 = arith.constant dense<0.000000e+00> : vector<2000xf32>
    %reduce_sum3A_28 = vector.multi_reduction <add>, %mul3A_26, %reduce_sum3A_27 [1] : vector<2000x128xf32> to vector<2000xf32>
    %broadcast_in_dim3A_29 = vector.shape_cast %reduce_sum3A_28 : vector<2000xf32> to vector<2000x1xf32>
    %div3A_30 = arith.constant 1.280000e+02 : f32
    %div3A_31 = vector.broadcast %div3A_30 : f32 to vector<2000x1xf32>
    %div3A_32 = arith.divf %broadcast_in_dim3A_29, %div3A_31 : vector<2000x1xf32>
    %add3A_33 = arith.constant 9.99999974E-6 : f32
    %add3A_34 = vector.broadcast %add3A_33 : f32 to vector<2000x1xf32>
    %add3A_35 = arith.addf %div3A_32, %add3A_34 : vector<2000x1xf32>
    %rsqrt3A = math.rsqrt %add3A_35 : vector<2000x1xf32>
    %mul3A_36 = vector.broadcast %rsqrt3A : vector<2000x1xf32> to vector<2000x128xf32>
    %mul3A_37 = arith.mulf %sub3A_25, %mul3A_36 : vector<2000x128xf32>
    %get3A_38 = arith.constant 0 : index
    %get3A_39 = arith.constant 0 : index
    %get3A_40 = vector.load %arg5[%get3A_38, %get3A_39] : memref<1x128xf32, #tpu.memory_space<vmem>>, vector<1x128xf32>
    %mul3A_41 = vector.broadcast %get3A_40 : vector<1x128xf32> to vector<2000x128xf32>
    %mul3A_42 = arith.mulf %mul3A_37, %mul3A_41 : vector<2000x128xf32>
    %get3A_43 = arith.constant 0 : index
    %get3A_44 = arith.constant 0 : index
    %get3A_45 = vector.load %arg6[%get3A_43, %get3A_44] : memref<1x128xf32, #tpu.memory_space<vmem>>, vector<1x128xf32>
    %add3A_46 = vector.broadcast %get3A_45 : vector<1x128xf32> to vector<2000x128xf32>
    %add3A_47 = arith.addf %mul3A_42, %add3A_46 : vector<2000x128xf32>
    %get3A_48 = arith.constant 0 : index
    %get3A_49 = arith.constant 0 : index
    %get3A_50 = vector.load %arg7[%get3A_48, %get3A_49] : memref<2000x128xf32, #tpu.memory_space<vmem>>, vector<2000x128xf32>
    %add3A_51 = arith.addf %add3A_47, %get3A_50 : vector<2000x128xf32>
    %max3A = arith.constant 0.000000e+00 : f32
    %max3A_52 = vector.broadcast %max3A : f32 to vector<2000x128xf32>
    %max3A_53 = arith.maximumf %add3A_51, %max3A_52 : vector<2000x128xf32>
    %swap3A = arith.constant 0 : index
    %swap3A_54 = arith.constant 0 : index
    %swap3A_55 = vector.load %arg8[%swap3A, %swap3A_54] : memref<2000x128xf32, #tpu.memory_space<vmem>>, vector<2000x128xf32>
    tpu.vector_store %arg8[%swap3A, %swap3A_54], %max3A_53 {strides = array<i32>} : memref<2000x128xf32, #tpu.memory_space<vmem>>, vector<2000x128xf32>,
    return
  }
  func.func @transform_0(%arg0: i32) -> (i32, i32, i32) {
    %c0_i32 = arith.constant 0 : i32
    %c0_i32_0 = arith.constant 0 : i32
    %c0_i32_1 = arith.constant 0 : i32
    return %c0_i32, %arg0, %c0_i32_0 : i32, i32, i32
  }
  func.func @transform_1(%arg0: i32) -> (i32, i32) {
    %c0_i32 = arith.constant 0 : i32
    %c0_i32_0 = arith.constant 0 : i32
    return %arg0, %c0_i32 : i32, i32
  }
  func.func @transform_2(%arg0: i32) -> (i32, i32) {
    %c0_i32 = arith.constant 0 : i32
    %c0_i32_0 = arith.constant 0 : i32
    return %arg0, %c0_i32 : i32, i32
  }
  func.func @transform_3(%arg0: i32) -> (i32, i32) {
    %c0_i32 = arith.constant 0 : i32
    %c0_i32_0 = arith.constant 0 : i32
    %c0_i32_1 = arith.constant 0 : i32
    return %c0_i32, %c0_i32_0 : i32, i32
  }
  func.func @transform_4(%arg0: i32) -> (i32, i32) {
    %c0_i32 = arith.constant 0 : i32
    %c0_i32_0 = arith.constant 0 : i32
    %c0_i32_1 = arith.constant 0 : i32
    return %c0_i32, %c0_i32_0 : i32, i32
  }
  func.func @transform_5(%arg0: i32) -> (i32, i32) {
    %c0_i32 = arith.constant 0 : i32
    %c0_i32_0 = arith.constant 0 : i32
    %c0_i32_1 = arith.constant 0 : i32
    return %c0_i32, %c0_i32_0 : i32, i32
  }
  func.func @transform_6(%arg0: i32) -> (i32, i32) {
    %c0_i32 = arith.constant 0 : i32
    %c0_i32_0 = arith.constant 0 : i32
    return %arg0, %c0_i32 : i32, i32
  }
  func.func @transform_7(%arg0: i32) -> (i32, i32) {
    %c0_i32 = arith.constant 0 : i32
    %c0_i32_0 = arith.constant 0 : i32
    return %arg0, %c0_i32 : i32, i32
  }
}

</mosaic_0001>

<sc_bundles>
// kernel: kernel.6.cloned.1.call-start
scs
__scs_entry_jumppad:
0x0: {  	(pc) =	sbr.rel $0x88, $3  }
0x1: {  	(tag) =	ssettag $0x0;
	lr =	simm.s32 $0x1  }
0x2: {  	[smem:$0x3F9B] =	sst lr;
	_ =	strace $0xD0000000  }
0x3: {  	_ = 	snop  }
0x4: {  	_ = 	snop  }
0x5: {  	_ = 	snop  }
0x6: {  	_ = 	snop  }
0x7: {  	_ = 	snop  }
__scs_overlays_trampoline_lowered:
0x8: {  	[smem:$0x3FAA] =	sst s0  }
0x9: {  	[smem:$0x3FAB] =	sst s1  }
0xa: {  	[smem:$0x3FAC] =	sst s2  }
0xb: {  	[smem:$0x3FAD] =	sst s3  }
0xc: {  	[smem:$0x3FAE] =	sst s4  }
0xd: {  	[smem:$0x3FAF] =	sst s5  }
0xe: {  	[smem:$0x3FB0] =	sst s6  }
0xf: {  	[smem:$0x3FB1] =	sst s7  }
0x10: {  	[smem:$0x3FB2] =	sst s8  }
0x11: {  	[smem:$0x3FB3] =	sst s9;
	s0 =	simm.s32 @!p0 $0x0  }
0x12: {  	s1 =	sld [smem:$0x3F99];
	s0 =	simm.s32 @p0 $0x1  }
0x13: {  	[smem:$0x3FB4] =	sst s0;
	s0 =	simm.s32 @!p1 $0x0  }
0x14: {  	s2 =	sld [smem:$0x3F98];
	s0 =	simm.s32 @p1 $0x1  }
0x15: {  	[smem:$0x3FB5] =	sst s0;
	s0 =	simm.s32 @!p2 $0x0  }
0x16: {  	s3 =	sld [smem:$0x3FDB];
	s0 =	simm.s32 @p2 $0x1  }
0x17: {  	s4 =	simm.s32 $0x1BF5;
	[smem:$0x3FB7] =	sst s0  }
0x18: {  	s0 =	sld [smem:$0x3F9A];
	_ =	swait.ge [sflag:s4], $0x0  }
0x19: {  	s7 =	sld [smem:$0x3F9B]  }
0x1a: {  	s8 =	sadd.s32 $0xFFFFE003, lr  }
0x1b: {  	s9 =	sadd.s32 $0xFFFFFEF7, lr;
	s5 =	simm.s32 $0xFFFFFFFF;
	p2 =	slt.u32 s8, $0xFFFFF086  }
0x1c: {  	p1 =	slt.u32 s9, $0xF7A;
	s5 =	simm.s32 @!p2 $0x0  }
0x1d: {  	s5 =	simm.s32 @p1 $0x1;
	p0 =	seq.s32 s7, s2  }
0x1e: {  	s7 =	smul.u32 @!p0 $0xF7A, s2;
	p2 =	seq.s32 @!p0 s5, $0x0  }
0x1f: {  	s9 =	smul.u32 $0xF7A, s1;
	s8 =	simm.s32 @!p0 $0x1BF5;
	p2 =	por !p2, p0  }
0x20: {  	[sflag:s8] =	ssyncset.s32 @!p0 $0xFFFFF086;
	s6 =	sadd.s32 @!p0 s3, s7;
	s7 =	simm.s32 @!p0 $0x108  }
0x21: {  	s3 =	sadd.s32 s3, s9;
	s6 =	sadd.s32 @!p0 $0x88, s6;
	s7 =	simm.s32 @p2 $0x1082  }
0x22: {  	[simem:s7], [sflag:s8] =	dma.local @!p0 [hbm:s6], $0xF7A  }
0x23: {  	s9 =	sor.u32 $0xD0000000, s2;
	s6 =	simm.s32 $0x108;
	_ =	swait.ge @!p0 [sflag:s8], $0x0  }
0x24: {  	s3 =	sadd.s32 $0x88, s3;
	s6 =	simm.s32 @!p1 $0x1082;
	[sflag:s4] =	ssyncset.s32 $0xFFFFF086  }
0x25: {  	[simem:s6], [sflag:s4] =	dma.local [hbm:s3], $0xF7A  }
0x26: {  	[smem:$0x3F9B] =	sst s1;
	(tag) =	ssettag s2;
	_ =	strace s9  }
0x27: {  	s1 =	sld [smem:$0x3FAB]  }
0x28: {  	s2 =	sld [smem:$0x3FAC]  }
0x29: {  	s4 =	sld [smem:$0x3FAE]  }
0x2a: {  	p0 =	seq.s32 s5, $0x0;
	s5 =	sld [smem:$0x3FAF]  }
0x2b: {  	s6 =	sld [smem:$0x3FB0]  }
0x2c: {  	s7 =	sld [smem:$0x3FB1]  }
0x2d: {  	s3 =	simm.s32 $0x108;
	s8 =	sld [smem:$0x3FB2]  }
0x2e: {  	s3 =	simm.s32 @!p0 $0x1082;
	s9 =	sld [smem:$0x3FB3]  }
0x2f: {  	lr =	sadd.s32 s0, s3;
	s0 =	sld [smem:$0x3FAA]  }
0x30: {  	s3 =	sld [smem:$0x3FAD]  }
0x31: {  	[smem:$0x3FB6] =	sst s10  }
0x32: {  	s10 =	sld [smem:$0x3FB4];
	_ =	sdelay $0x3  }
0x33: {  	p0 =	seq.s32 s10, $0x1;
	s10 =	sld [smem:$0x3FB6];
	_ =	sdelay $0x3  }
0x34: {  	[smem:$0x3FB6] =	sst s10  }
0x35: {  	s10 =	sld [smem:$0x3FB5];
	_ =	sdelay $0x3  }
0x36: {  	p1 =	seq.s32 s10, $0x1;
	s10 =	sld [smem:$0x3FB6];
	_ =	sdelay $0x3  }
0x37: {  	[smem:$0x3FB6] =	sst s10  }
0x38: {  	s10 =	sld [smem:$0x3FB7]  }
0x39: {  	_ = 	snop;
	(pc) =	sbr.ind lr, $3  }
0x3a: {  	_ = 	snop  }
0x3b: {  	_ = 	snop  }
0x3c: {  	p2 =	seq.s32 s10, $0x1;
	s10 =	sld [smem:$0x3FB6]  }
0x3d: {  	_ =	shalt  }
0x3e: {  	_ =	shalt  }
0x3f: {  	_ =	shalt  }
0x40: {  	_ =	shalt  }
0x41: {  	_ =	shalt  }
0x42: {  	_ =	shalt  }
0x43: {  	_ =	shalt  }
0x44: {  	_ =	shalt  }
0x45: {  	_ =	shalt  }
0x46: {  	_ =	shalt  }
0x47: {  	_ =	shalt  }
0x48: {  	_ =	shalt  }
0x49: {  	_ =	shalt  }
0x4a: {  	_ =	shalt  }
0x4b: {  	_ =	shalt  }
0x4c: {  	_ =	shalt  }
0x4d: {  	_ =	shalt  }
0x4e: {  	_ =	shalt  }
0x4f: {  	_ =	shalt  }
0x50: {  	_ =	shalt  }
0x51: {  	_ =	shalt  }
0x52: {  	_ =	shalt  }
0x53: {  	_ =	shalt  }
0x54: {  	_ =	shalt  }
0x55: {  	_ =	shalt  }
0x56: {  	_ =	shalt  }
0x57: {  	_ =	shalt  }
0x58: {  	_ =	shalt  }
0x59: {  	_ =	shalt  }
0x5a: {  	_ =	shalt  }
0x5b: {  	_ =	shalt  }
0x5c: {  	_ =	shalt  }
0x5d: {  	_ =	shalt  }
0x5e: {  	_ =	shalt  }
0x5f: {  	_ =	shalt  }
0x60: {  	_ =	shalt  }
0x61: {  	_ =	shalt  }
0x62: {  	_ =	shalt  }
0x63: {  	_ =	shalt  }
0x64: {  	_ =	shalt  }
0x65: {  	_ =	shalt  }
0x66: {  	_ =	shalt  }
0x67: {  	_ =	shalt  }
0x68: {  	_ =	shalt  }
0x69: {  	_ =	shalt  }
0x6a: {  	_ =	shalt  }
0x6b: {  	_ =	shalt  }
0x6c: {  	_ =	shalt  }
0x6d: {  	_ =	shalt  }
0x6e: {  	_ =	shalt  }
0x6f: {  	_ =	shalt  }
0x70: {  	_ =	shalt  }
0x71: {  	_ =	shalt  }
0x72: {  	_ =	shalt  }
0x73: {  	_ =	shalt  }
0x74: {  	_ =	shalt  }
0x75: {  	_ =	shalt  }
0x76: {  	_ =	shalt  }
0x77: {  	_ =	shalt  }
0x78: {  	_ =	shalt  }
0x79: {  	_ =	shalt  }
0x7a: {  	_ =	shalt  }
0x7b: {  	_ =	shalt  }
0x7c: {  	_ =	shalt  }
0x7d: {  	_ =	shalt  }
0x7e: {  	_ =	shalt  }
0x7f: {  	_ =	shalt  }
0x80: {  	_ =	shalt  }
0x81: {  	_ =	shalt  }
0x82: {  	_ =	shalt  }
0x83: {  	_ =	shalt  }
0x84: {  	_ =	shalt  }
0x85: {  	_ =	shalt  }
0x86: {  	_ =	shalt  }
0x87: {  	_ =	shalt  }
.Lfunc_end0:
.L_simem_size_0:
called_computation_lowered:
.L_overlay_start_0:
0x88: {  	s2 =	sld [smem:$0x3FD9]  }
0x89: {  	s3 =	sld [smem:$0x3FFE];
	_ =	sdelay $0x1  }
0x8a: {  	s1 =	srdreg.scid  }
0x8b: {  	s0 =	sand.u32 $0x1, s1  }
0x8c: {  	s17 =	sshll.u32 s0, $0xA;
	s2 =	sadd.s32 s3, s2  }
0x8d: {  	s2 =	sadd.s32 s2, s17  }
0x8e: {  	[smem:$0x3FC2] =	sst s2  }
0x8f: {  	_ = 	snop  }
0x90: {  	s2 =	sld [smem:$0x3FD0];
	(tm) =	ssettm $0x1  }
0x91: {  	s18 =	sld [smem:$0x3FFB];
	_ =	sdelay $0x3  }
0x92: {  	_ =	strace s18  }
0x93: {  	s3 =	sld [smem:$0x3FFC];
	_ =	sdelay $0x3  }
0x94: {  	_ =	strace s3  }
0x95: {  	s3 =	sld [smem:$0x3FFD];
	_ =	sdelay $0x3  }
0x96: {  	_ =	strace s3  }
0x97: {  	_ =	strace $0x8FFFFFFF  }
0x98: {  	s19 =	sld [smem:$0x3FDB];
	_ =	sdelay $0x1  }
0x99: {  	s4 =	simm.s32 $_scs_section_size  }
0x9a: {  	s5 =	simm.s32 $_size__tile_overlayer_lowered;
	s6 =	simm.s32 $_tile_overlayer_lowered  }
0x9b: {  	s22 =	simm.s32 $0x1BFF;
	s21 =	sshll.u32 s6, $0x1;
	s3 =	sadd.s32 s4, s19  }
0x9c: {  	s7 =	simm.s32 $0x0;
	s20 =	sshll.u32 s5, $0x1;
	s5 =	sadd.s32 s21, s3  }
0x9d: {  	[timem:s7], [sflag:s22] =	dma.local [hbm:s5], s20  }
0x9e: {  	_ =	swait.ge [sflag:s22], s20  }
0x9f: {  	s4 =	ssub.s32 $0x0, s20;
	[sflag:s22] =	ssyncset.done $0x0  }
0xa0: {  	[sflag:s22] =	ssyncadd.s32 s4;
	_ =	sdelay $0x1  }
0xa1: {  	s23 =	simm.s32 $0x1B8B  }
0xa2: {  	_ =	swait.ge [sflag:s23], $0x1  }
0xa3: {  	[sflag:s23] =	ssyncset.done $0x0  }
0xa4: {  	s25 =	simm.s32 $0x1B8E;
	s24 =	sld [smem:$0x3FFE];
	[sflag:s23] =	ssyncadd.s32 $0xFFFFFFFF  }
0xa5: {  	s26 =	simm.s32 $execute0_lowered;
	[smem:$0x3FD2] =	sst s25  }
0xa6: {  	s5 =	sshll.u32 s26, $0x1;
	_ =	strace $0x80000046;
	[dreg:$0x1] =	wrdreg $0xFFFFFFFF  }
0xa7: {  	s28 =	simm.s32 $_size_execute0_lowered;
	s3 =	sadd.s32 s3, s5;
	[dreg:$0x0] =	wrdreg $0x0  }
0xa8: {  	s5 =	sshll.u32 s28, $0x1;
	[dreg:$0x2] =	wrdreg s3  }
0xa9: {  	[dreg:$0x3] =	wrdreg s5  }
0xaa: {  	[dreg:$0x4] =	wrdreg $0xC0  }
0xab: {  	_ =	task [dreg:s7], $0x5FFFF  }
0xac: {  	[dreg:$0x1] =	wrdreg $0xFFFFFFFF  }
0xad: {  	[dreg:$0x0] =	wrdreg $0x60  }
0xae: {  	[dreg:$0x2] =	wrdreg s2  }
0xaf: {  	[dreg:$0x3] =	wrdreg s24  }
0xb0: {  	[dreg:$0x4] =	wrdreg $0x37000  }
0xb1: {  	[dreg:$0x5] =	wrdreg $0x9  }
0xb2: {  	_ =	task.clear_ibuf [dreg:s7], $0x6FFFF;
	_ =	strace $0x90000046  }
0xb3: {  	s29 =	simm.s32 $0x9;
	_ =	strace $0x80000048  }
0xb4: {  	_ =	swait.ge [sflag:s29], $0x1  }
0xb5: {  	[sflag:s29] =	ssyncadd.s32 $0xFFFFFFFF  }
0xb6: {  	_ =	strace $0x90000048  }
0xb7: {  	_ =	sfence  }
0xb8: {  	s30 =	sld [smem:$0x0];
	_ =	sdelay $0x2  }
0xb9: {  	s31 =	sshll.u32 s1, $0xD;
	s1 =	sshrl.u32 s1, $0x2  }
0xba: {  	s3 =	sand.u32 $0x4000, s31;
	s1 =	sadd.s32 s1, s30  }
0xbb: {  	s0 =	sor.u32 s3, s0;
	s1 =	sshll.u32 s1, $0x11  }
0xbc: {  	s0 =	sor.u32 s1, s0  }
0xbd: {  	s0 =	sadd.s32 $0x8F2B, s0  }
0xbe: {  	[sflag:s0] =	ssyncadd.remote.s32 $0x1  }
0xbf: {  	_ =	sfence.sel $0xFFFF  }
0xc0: {  	[dreg:$0x0] =	wrdreg $0xFFFFFFFF;
	(pc) =	sbr.abs _section_cstart, $3  }
0xc1: {  	[dreg:$0x1] =	wrdreg $0xFFFFFFFF  }
0xc2: {  	_ =	task.clear_ibuf [dreg:s7], $0x2FFFF;
	_ =	strace $0x9FFFFFFF  }
0xc3: {  	(tm) =	ssettm $0x7FFFFFFF  }
tec
execute0_lowered:
.L_overlay_start_1:
0x0: {  	(tag) =	ssettag $0x1  }
0x1: {  	s5 =	rddreg [dreg:$0x0]  }
0x2: {  	s4 =	rddreg [dreg:$0x1];
	s1 =	srdreg.scid  }
0x3: {  	s0 =	stileid.u32;
	s2 =	rddreg [dreg:$0x2];
	s3 =	simm.s32 $0x0  }
0x4: {  	s11 =	simm.s32 $0x3400;
	s6 =	sand.u32 $0x1, s1;
	s1 =	rddreg [dreg:$0x3]  }
0x5: {  	s14 =	simm.s32 $0x0;
	s7 =	smul.u32 $0x280, s0;
	[smem:$0x7FF] =	sst s3  }
0x6: {  	s12 =	sshll.u32 s0, $0x6;
	s8 =	smul.u32 $0x2800, s6;
	s9 =	sshll.u32 s6, $0x4  }
0x7: {  	s6 =	ssub.s32 $0x2, s6;
	_ =	strace $0x80000047;
	s9 =	sor.u32 s0, s9  }
0x8: {  	s10 =	sshrl.u32 s6, $0x1;
	s8 =	sadd.s32 s7, s8;
	s9 =	smul.u32 $0x680, s9  }
0x9: {  	s12 =	sor.u32 $0x1C01, s12;
	s10 =	ssub.s32 s6, s10;
	s8 =	sshrl.u32 s8, $0x3  }
0xa: {  	s8 =	sadd.s32 s8, s4;
	s4 =	sadd.s32 s7, s2;
	s5 =	sadd.s32 s5, s9  }
0xb: {  	s7 =	smax.u32 s10, $0x1;
	s9 =	simm.s32 $0x1;
	s10 =	simm.s32 $0x64  }
0xc: {  	v0 =	vimm.f32 $0.0e+00;
	v1 =	vimm.f32 $1.000000000e+00;
	s6 =	sadd.s32 $0x1C00, s8;
	s8 =	simm.s32 $0x3480;
	s13 =	sshrl.u32 s4, $0x3  }
.LBB2_1:
0xd: {  	[tilespmem:$0x3480] =	vst v0  }
0xe: {  	[tilespmem:$0x3490] =	vst v0  }
0xf: {  	[tilespmem:$0x34A0] =	vst v0  }
0x10: {  	[tilespmem:$0x34B0] =	vst v0  }
0x11: {  	[tilespmem:$0x34C0] =	vst v0  }
0x12: {  	[tilespmem:$0x34D0] =	vst v0  }
0x13: {  	[tilespmem:$0x34E0] =	vst v0  }
0x14: {  	[tilespmem:$0x34F0] =	vst v0  }
0x15: {  	[tilespmem:$0x3500] =	vst v0  }
0x16: {  	[tilespmem:$0x3510] =	vst v0  }
0x17: {  	[tilespmem:$0x3520] =	vst v0  }
0x18: {  	[tilespmem:$0x3530] =	vst v0  }
0x19: {  	[tilespmem:$0x3540] =	vst v0  }
0x1a: {  	[tilespmem:$0x3550] =	vst v0  }
0x1b: {  	[tilespmem:$0x3560] =	vst v0  }
0x1c: {  	[tilespmem:$0x3570] =	vst v0  }
0x1d: {  	[tilespmem:$0x3580] =	vst v0  }
0x1e: {  	[tilespmem:$0x3590] =	vst v0  }
0x1f: {  	[tilespmem:$0x35A0] =	vst v0  }
0x20: {  	[tilespmem:$0x35B0] =	vst v0  }
0x21: {  	[tilespmem:$0x35C0] =	vst v0  }
0x22: {  	[tilespmem:$0x35D0] =	vst v0  }
0x23: {  	[tilespmem:$0x35E0] =	vst v0  }
0x24: {  	[tilespmem:$0x35F0] =	vst v0  }
0x25: {  	[tilespmem:$0x3600] =	vst v0  }
0x26: {  	[tilespmem:$0x3610] =	vst v0  }
0x27: {  	[tilespmem:$0x3620] =	vst v0  }
0x28: {  	[tilespmem:$0x3630] =	vst v0  }
0x29: {  	[tilespmem:$0x3640] =	vst v0  }
0x2a: {  	[tilespmem:$0x3650] =	vst v0  }
0x2b: {  	[tilespmem:$0x3660] =	vst v0  }
0x2c: {  	[tilespmem:$0x3670] =	vst v0  }
0x2d: {  	[tilespmem:$0x3680] =	vst v0  }
0x2e: {  	[tilespmem:$0x3690] =	vst v0  }
0x2f: {  	[tilespmem:$0x36A0] =	vst v0  }
0x30: {  	[tilespmem:$0x36B0] =	vst v0  }
0x31: {  	[tilespmem:$0x36C0] =	vst v0  }
0x32: {  	[tilespmem:$0x36D0] =	vst v0  }
0x33: {  	[tilespmem:$0x36E0] =	vst v0  }
0x34: {  	[tilespmem:$0x36F0] =	vst v0  }
0x35: {  	[tilespmem:$0x3400] =	vst v1  }
0x36: {  	[tilespmem:$0x3410] =	vst v1  }
0x37: {  	[tilespmem:$0x3420] =	vst v1  }
0x38: {  	[tilespmem:$0x3430] =	vst v1  }
0x39: {  	[tilespmem:$0x3440] =	vst v1  }
0x3a: {  	[tilespmem:$0x3450] =	vst v1  }
0x3b: {  	[tilespmem:$0x3454] =	vst v1  }
0x3c: {  	[spmem:s4] =	stream.linear.scatter [tilespmem:s8], [sflag:$0x1], $0x280, $0x38;
	[tilespmem:$0x3980] =	vst v63  }
0x3d: {  	_ =	swait.ge [sflag:s9], $0x280  }
0x3e: {  	[sflag:s9] =	ssyncset.done $0x0  }
0x3f: {  	[sflag:s9] =	ssyncadd.s32 $0xFFFFFD80  }
0x40: {  	[tilespmem:s3], [sflag:$0x1] =	stream.linear.gather [hbm4b:s5+s3], $0x3200, $0x38;
	[tilespmem:$0x3980] =	vst v63  }
0x41: {  	_ =	swait.ge [sflag:s9], $0x3200  }
0x42: {  	[sflag:s9] =	ssyncset.done $0x0  }
0x43: {  	[sflag:s9] =	ssyncadd.s32 $0xFFFFCE00  }
0x44: {  	s15 =	simm.s32 $0x0;
	[bflag:$0x0] =	sbarrier.arrive $0xFFFF  }
0x45: {  	[spmem:s2] =	stream.indirect.scatter.add.f32 [tilespmem:s11], [sflag:$0x1], $0x1, s15, s10, $0xb8;
	[tilespmem:$0x3980] =	vst v63  }
0x46: {  	_ =	swait.ge [sflag:s9], $0x64  }
0x47: {  	s15 =	simm.s32 $0x200;
	[sflag:s9] =	ssyncset.done $0x0  }
.LBB2_2:
0x48: {  	s16 =	sshra.s32 s15, $0x2;
	[sflag:s9] =	ssyncadd.s32 $0xFFFFFF9C;
	p0 =	sne.s32 s15, $0xC600  }
0x49: {  	[spmem:s2] =	stream.indirect.scatter.add.f32 [tilespmem:s11], [sflag:$0x1], $0x1, s16, s10, $0xb8;
	[tilespmem:$0x3980] =	vst v63  }
.Ltmp0:
0x4a: {  	_ = 	snop;
	(pc) =	sbr.rel @p0 .LBB2_2-.Ltmp0, $4  }
0x4b: {  	_ = 	snop  }
0x4c: {  	s15 =	sadd.s32 $0x200, s15  }
0x4d: {  	_ =	swait.ge [sflag:s9], $0x64  }
0x4e: {  	[sflag:s9] =	ssyncset.done $0x0  }
0x4f: {  	s14 =	sadd.s32 $0x1, s14  }
0x50: {  	[sflag:s9] =	ssyncadd.s32 $0xFFFFFF9C;
	p0 =	sne.s32 s14, s7  }
.Ltmp1:
0x51: {  	[bflag:$0x0] =	sbarrier.arrive $0xFFFF;
	(pc) =	sbr.rel @p0 .LBB2_1-.Ltmp1, $4  }
0x52: {  	[hbm:s6], [sflag:s12] =	dma.local [spmem:s13], $0x50  }
0x53: {  	_ =	swait.ge [sflag:s9], $0x50  }
0x54: {  	[sflag:s9] =	ssyncset.done $0x0  }
0x55: {  	[sflag:s9] =	ssyncadd.s32 $0xFFFFFFB0  }
0x56: {  	_ =	sfence.sel $0x180000  }
0x57: {  	[bflag:$0x0] =	sbarrier.arrive $0xFFFF  }
0x58: {  	p0 =	sne.s32 s0, $0x0;
	_ =	strace $0x90000047  }
0x59: {  	s0 =	sadd.s32 @!p0 $0x100000, s1;
	[bflag:$0x2] =	sbarrier.arrive $0xFFFF  }
0x5a: {  	[sflag:s0] =	ssyncadd.tile.s32 @!p0 $0x1;
	_ =	shalt  }
.Lfunc_end2:
_tile_overlayer_lowered:
.L_overlay_start_2:
0x5b: {  	(tag) =	ssettag $0x2  }
0x5c: {  	s0 =	rddreg [dreg:$0x0];
	s2 =	stileid.u32  }
0x5d: {  	s1 =	rddreg [dreg:$0x1];
	p0 =	sne.s32 s2, $0x0  }
0x5e: {  	s3 =	rddreg [dreg:$0x2];
	[bflag:$0x3] =	sbarrier.arrive $0xFFFF;
	s2 =	simm.s32 @!p0 $0x1C01  }
0x5f: {  	[timem:s3], [sflag:s2] =	dma.local @!p0 [hbm:s0], s1  }
0x60: {  	s0 =	simm.s32 @!p0 $0x1  }
0x61: {  	_ =	swait.ge @!p0 [sflag:s0], s1  }
0x62: {  	s1 =	ssub.s32 @!p0 $0x0, s1;
	[sflag:s0] =	ssyncset.done @!p0 $0x0  }
0x63: {  	[sflag:s0] =	ssyncadd.s32 @!p0 s1  }
0x64: {  	[bflag:$0x3] =	sbarrier.arrive $0xFFFF  }
0x65: {  	_ =	shalt  }

// kernel: kernel.9.cloned.1.call-start
scs
__scs_entry_jumppad:
0x0: {  	(pc) =	sbr.rel $0x88, $3  }
0x1: {  	(tag) =	ssettag $0x0;
	lr =	simm.s32 $0x1  }
0x2: {  	[smem:$0x3F9B] =	sst lr;
	_ =	strace $0xD0000000  }
0x3: {  	_ = 	snop  }
0x4: {  	_ = 	snop  }
0x5: {  	_ = 	snop  }
0x6: {  	_ = 	snop  }
0x7: {  	_ = 	snop  }
__scs_overlays_trampoline_lowered:
0x8: {  	[smem:$0x3FAA] =	sst s0  }
0x9: {  	[smem:$0x3FAB] =	sst s1  }
0xa: {  	[smem:$0x3FAC] =	sst s2  }
0xb: {  	[smem:$0x3FAD] =	sst s3  }
0xc: {  	[smem:$0x3FAE] =	sst s4  }
0xd: {  	[smem:$0x3FAF] =	sst s5  }
0xe: {  	[smem:$0x3FB0] =	sst s6  }
0xf: {  	[smem:$0x3FB1] =	sst s7  }
0x10: {  	[smem:$0x3FB2] =	sst s8  }
0x11: {  	[smem:$0x3FB3] =	sst s9;
	s0 =	simm.s32 @!p0 $0x0  }
0x12: {  	s1 =	sld [smem:$0x3F99];
	s0 =	simm.s32 @p0 $0x1  }
0x13: {  	[smem:$0x3FB4] =	sst s0;
	s0 =	simm.s32 @!p1 $0x0  }
0x14: {  	s2 =	sld [smem:$0x3F98];
	s0 =	simm.s32 @p1 $0x1  }
0x15: {  	[smem:$0x3FB5] =	sst s0;
	s0 =	simm.s32 @!p2 $0x0  }
0x16: {  	s3 =	sld [smem:$0x3FDB];
	s0 =	simm.s32 @p2 $0x1  }
0x17: {  	s4 =	simm.s32 $0x1BF5;
	[smem:$0x3FB7] =	sst s0  }
0x18: {  	s0 =	sld [smem:$0x3F9A];
	_ =	swait.ge [sflag:s4], $0x0  }
0x19: {  	s7 =	sld [smem:$0x3F9B]  }
0x1a: {  	s8 =	sadd.s32 $0xFFFFE003, lr  }
0x1b: {  	s9 =	sadd.s32 $0xFFFFFEF7, lr;
	s5 =	simm.s32 $0xFFFFFFFF;
	p2 =	slt.u32 s8, $0xFFFFF086  }
0x1c: {  	p1 =	slt.u32 s9, $0xF7A;
	s5 =	simm.s32 @!p2 $0x0  }
0x1d: {  	s5 =	simm.s32 @p1 $0x1;
	p0 =	seq.s32 s7, s2  }
0x1e: {  	s7 =	smul.u32 @!p0 $0xF7A, s2;
	p2 =	seq.s32 @!p0 s5, $0x0  }
0x1f: {  	s9 =	smul.u32 $0xF7A, s1;
	s8 =	simm.s32 @!p0 $0x1BF5;
	p2 =	por !p2, p0  }
0x20: {  	[sflag:s8] =	ssyncset.s32 @!p0 $0xFFFFF086;
	s6 =	sadd.s32 @!p0 s3, s7;
	s7 =	simm.s32 @!p0 $0x108  }
0x21: {  	s3 =	sadd.s32 s3, s9;
	s6 =	sadd.s32 @!p0 $0x88, s6;
	s7 =	simm.s32 @p2 $0x1082  }
0x22: {  	[simem:s7], [sflag:s8] =	dma.local @!p0 [hbm:s6], $0xF7A  }
0x23: {  	s9 =	sor.u32 $0xD0000000, s2;
	s6 =	simm.s32 $0x108;
	_ =	swait.ge @!p0 [sflag:s8], $0x0  }
0x24: {  	s3 =	sadd.s32 $0x88, s3;
	s6 =	simm.s32 @!p1 $0x1082;
	[sflag:s4] =	ssyncset.s32 $0xFFFFF086  }
0x25: {  	[simem:s6], [sflag:s4] =	dma.local [hbm:s3], $0xF7A  }
0x26: {  	[smem:$0x3F9B] =	sst s1;
	(tag) =	ssettag s2;
	_ =	strace s9  }
0x27: {  	s1 =	sld [smem:$0x3FAB]  }
0x28: {  	s2 =	sld [smem:$0x3FAC]  }
0x29: {  	s4 =	sld [smem:$0x3FAE]  }
0x2a: {  	p0 =	seq.s32 s5, $0x0;
	s5 =	sld [smem:$0x3FAF]  }
0x2b: {  	s6 =	sld [smem:$0x3FB0]  }
0x2c: {  	s7 =	sld [smem:$0x3FB1]  }
0x2d: {  	s3 =	simm.s32 $0x108;
	s8 =	sld [smem:$0x3FB2]  }
0x2e: {  	s3 =	simm.s32 @!p0 $0x1082;
	s9 =	sld [smem:$0x3FB3]  }
0x2f: {  	lr =	sadd.s32 s0, s3;
	s0 =	sld [smem:$0x3FAA]  }
0x30: {  	s3 =	sld [smem:$0x3FAD]  }
0x31: {  	[smem:$0x3FB6] =	sst s10  }
0x32: {  	s10 =	sld [smem:$0x3FB4];
	_ =	sdelay $0x3  }
0x33: {  	p0 =	seq.s32 s10, $0x1;
	s10 =	sld [smem:$0x3FB6];
	_ =	sdelay $0x3  }
0x34: {  	[smem:$0x3FB6] =	sst s10  }
0x35: {  	s10 =	sld [smem:$0x3FB5];
	_ =	sdelay $0x3  }
0x36: {  	p1 =	seq.s32 s10, $0x1;
	s10 =	sld [smem:$0x3FB6];
	_ =	sdelay $0x3  }
0x37: {  	[smem:$0x3FB6] =	sst s10  }
0x38: {  	s10 =	sld [smem:$0x3FB7]  }
0x39: {  	_ = 	snop;
	(pc) =	sbr.ind lr, $3  }
0x3a: {  	_ = 	snop  }
0x3b: {  	_ = 	snop  }
0x3c: {  	p2 =	seq.s32 s10, $0x1;
	s10 =	sld [smem:$0x3FB6]  }
0x3d: {  	_ =	shalt  }
0x3e: {  	_ =	shalt  }
0x3f: {  	_ =	shalt  }
0x40: {  	_ =	shalt  }
0x41: {  	_ =	shalt  }
0x42: {  	_ =	shalt  }
0x43: {  	_ =	shalt  }
0x44: {  	_ =	shalt  }
0x45: {  	_ =	shalt  }
0x46: {  	_ =	shalt  }
0x47: {  	_ =	shalt  }
0x48: {  	_ =	shalt  }
0x49: {  	_ =	shalt  }
0x4a: {  	_ =	shalt  }
0x4b: {  	_ =	shalt  }
0x4c: {  	_ =	shalt  }
0x4d: {  	_ =	shalt  }
0x4e: {  	_ =	shalt  }
0x4f: {  	_ =	shalt  }
0x50: {  	_ =	shalt  }
0x51: {  	_ =	shalt  }
0x52: {  	_ =	shalt  }
0x53: {  	_ =	shalt  }
0x54: {  	_ =	shalt  }
0x55: {  	_ =	shalt  }
0x56: {  	_ =	shalt  }
0x57: {  	_ =	shalt  }
0x58: {  	_ =	shalt  }
0x59: {  	_ =	shalt  }
0x5a: {  	_ =	shalt  }
0x5b: {  	_ =	shalt  }
0x5c: {  	_ =	shalt  }
0x5d: {  	_ =	shalt  }
0x5e: {  	_ =	shalt  }
0x5f: {  	_ =	shalt  }
0x60: {  	_ =	shalt  }
0x61: {  	_ =	shalt  }
0x62: {  	_ =	shalt  }
0x63: {  	_ =	shalt  }
0x64: {  	_ =	shalt  }
0x65: {  	_ =	shalt  }
0x66: {  	_ =	shalt  }
0x67: {  	_ =	shalt  }
0x68: {  	_ =	shalt  }
0x69: {  	_ =	shalt  }
0x6a: {  	_ =	shalt  }
0x6b: {  	_ =	shalt  }
0x6c: {  	_ =	shalt  }
0x6d: {  	_ =	shalt  }
0x6e: {  	_ =	shalt  }
0x6f: {  	_ =	shalt  }
0x70: {  	_ =	shalt  }
0x71: {  	_ =	shalt  }
0x72: {  	_ =	shalt  }
0x73: {  	_ =	shalt  }
0x74: {  	_ =	shalt  }
0x75: {  	_ =	shalt  }
0x76: {  	_ =	shalt  }
0x77: {  	_ =	shalt  }
0x78: {  	_ =	shalt  }
0x79: {  	_ =	shalt  }
0x7a: {  	_ =	shalt  }
0x7b: {  	_ =	shalt  }
0x7c: {  	_ =	shalt  }
0x7d: {  	_ =	shalt  }
0x7e: {  	_ =	shalt  }
0x7f: {  	_ =	shalt  }
0x80: {  	_ =	shalt  }
0x81: {  	_ =	shalt  }
0x82: {  	_ =	shalt  }
0x83: {  	_ =	shalt  }
0x84: {  	_ =	shalt  }
0x85: {  	_ =	shalt  }
0x86: {  	_ =	shalt  }
0x87: {  	_ =	shalt  }
.Lfunc_end0:
.L_simem_size_0:
called_computation.1_lowered:
.L_overlay_start_0:
0x88: {  	s2 =	sld [smem:$0x3FD9]  }
0x89: {  	s3 =	sld [smem:$0x3FFE];
	_ =	sdelay $0x1  }
0x8a: {  	s1 =	srdreg.scid  }
0x8b: {  	s0 =	sand.u32 $0x1, s1  }
0x8c: {  	s17 =	sshll.u32 s0, $0xA;
	s2 =	sadd.s32 s3, s2  }
0x8d: {  	s2 =	sadd.s32 s2, s17  }
0x8e: {  	[smem:$0x3FC2] =	sst s2  }
0x8f: {  	_ = 	snop  }
0x90: {  	s2 =	sld [smem:$0x3FD0];
	(tm) =	ssettm $0x1  }
0x91: {  	s18 =	sld [smem:$0x3FFB];
	_ =	sdelay $0x3  }
0x92: {  	_ =	strace s18  }
0x93: {  	s3 =	sld [smem:$0x3FFC];
	_ =	sdelay $0x3  }
0x94: {  	_ =	strace s3  }
0x95: {  	s3 =	sld [smem:$0x3FFD];
	_ =	sdelay $0x3  }
0x96: {  	_ =	strace s3  }
0x97: {  	_ =	strace $0x8FFFFFFF  }
0x98: {  	s19 =	sld [smem:$0x3FDB];
	_ =	sdelay $0x1  }
0x99: {  	s4 =	simm.s32 $_scs_section_size  }
0x9a: {  	s5 =	simm.s32 $_size__tile_overlayer_lowered;
	s6 =	simm.s32 $_tile_overlayer_lowered  }
0x9b: {  	s22 =	simm.s32 $0x1BFF;
	s21 =	sshll.u32 s6, $0x1;
	s3 =	sadd.s32 s4, s19  }
0x9c: {  	s7 =	simm.s32 $0x0;
	s20 =	sshll.u32 s5, $0x1;
	s5 =	sadd.s32 s21, s3  }
0x9d: {  	[timem:s7], [sflag:s22] =	dma.local [hbm:s5], s20  }
0x9e: {  	_ =	swait.ge [sflag:s22], s20  }
0x9f: {  	s4 =	ssub.s32 $0x0, s20;
	[sflag:s22] =	ssyncset.done $0x0  }
0xa0: {  	[sflag:s22] =	ssyncadd.s32 s4;
	_ =	sdelay $0x1  }
0xa1: {  	s23 =	simm.s32 $0x1B8B  }
0xa2: {  	_ =	swait.ge [sflag:s23], $0x1  }
0xa3: {  	[sflag:s23] =	ssyncset.done $0x0  }
0xa4: {  	s25 =	simm.s32 $0x1B8E;
	s24 =	sld [smem:$0x3FFE];
	[sflag:s23] =	ssyncadd.s32 $0xFFFFFFFF  }
0xa5: {  	s26 =	simm.s32 $execute0_lowered;
	[smem:$0x3FD2] =	sst s25  }
0xa6: {  	s5 =	sshll.u32 s26, $0x1;
	_ =	strace $0x80000049;
	[dreg:$0x1] =	wrdreg $0xFFFFFFFF  }
0xa7: {  	s28 =	simm.s32 $_size_execute0_lowered;
	s3 =	sadd.s32 s3, s5;
	[dreg:$0x0] =	wrdreg $0x0  }
0xa8: {  	s5 =	sshll.u32 s28, $0x1;
	[dreg:$0x2] =	wrdreg s3  }
0xa9: {  	[dreg:$0x3] =	wrdreg s5  }
0xaa: {  	[dreg:$0x4] =	wrdreg $0xC0  }
0xab: {  	_ =	task [dreg:s7], $0x5FFFF  }
0xac: {  	[dreg:$0x1] =	wrdreg $0xFFFFFFFF  }
0xad: {  	[dreg:$0x0] =	wrdreg $0x60  }
0xae: {  	[dreg:$0x2] =	wrdreg s2  }
0xaf: {  	[dreg:$0x3] =	wrdreg s24  }
0xb0: {  	[dreg:$0x4] =	wrdreg $0xA8000  }
0xb1: {  	[dreg:$0x5] =	wrdreg $0x9  }
0xb2: {  	_ =	task.clear_ibuf [dreg:s7], $0x6FFFF;
	_ =	strace $0x90000049  }
0xb3: {  	s29 =	simm.s32 $0x9;
	_ =	strace $0x8000004B  }
0xb4: {  	_ =	swait.ge [sflag:s29], $0x1  }
0xb5: {  	[sflag:s29] =	ssyncadd.s32 $0xFFFFFFFF  }
0xb6: {  	_ =	strace $0x9000004B  }
0xb7: {  	_ =	sfence  }
0xb8: {  	s30 =	sld [smem:$0x0];
	_ =	sdelay $0x2  }
0xb9: {  	s31 =	sshll.u32 s1, $0xD;
	s1 =	sshrl.u32 s1, $0x2  }
0xba: {  	s3 =	sand.u32 $0x4000, s31;
	s1 =	sadd.s32 s1, s30  }
0xbb: {  	s0 =	sor.u32 s3, s0;
	s1 =	sshll.u32 s1, $0x11  }
0xbc: {  	s0 =	sor.u32 s1, s0  }
0xbd: {  	s0 =	sadd.s32 $0x8F2B, s0  }
0xbe: {  	[sflag:s0] =	ssyncadd.remote.s32 $0x1  }
0xbf: {  	_ =	sfence.sel $0xFFFF  }
0xc0: {  	[dreg:$0x0] =	wrdreg $0xFFFFFFFF;
	(pc) =	sbr.abs _section_cstart, $3  }
0xc1: {  	[dreg:$0x1] =	wrdreg $0xFFFFFFFF  }
0xc2: {  	_ =	task.clear_ibuf [dreg:s7], $0x2FFFF;
	_ =	strace $0x9FFFFFFF  }
0xc3: {  	(tm) =	ssettm $0x7FFFFFFF  }
tec
execute0_lowered:
.L_overlay_start_1:
0x0: {  	(tag) =	ssettag $0x1  }
0x1: {  	s1 =	rddreg [dreg:$0x0]  }
0x2: {  	s6 =	rddreg [dreg:$0x1]  }
0x3: {  	s0 =	srdreg.scid;
	s3 =	rddreg [dreg:$0x2];
	s4 =	simm.s32 $0x0  }
0x4: {  	s18 =	simm.s32 $0x7D;
	s19 =	simm.s32 $0x6800;
	s20 =	simm.s32 $0x1  }
0x5: {  	s21 =	simm.s32 $0x2;
	s22 =	simm.s32 $0x1380;
	s23 =	simm.s32 $0x2700  }
0x6: {  	s24 =	simm.s32 $0x2780;
	s26 =	simm.s32 $0x0;
	s5 =	sand.u32 $0x1, s0  }
0x7: {  	s0 =	stileid.u32;
	[smem:$0x7FF] =	sst s4;
	s14 =	sadd.s32 $0x16600, s6  }
0x8: {  	s25 =	sadd.s32 $0x12C000, s3;
	s2 =	sshll.u32 s5, $0x4;
	s8 =	smul.u32 $0x50000, s0  }
0x9: {  	_ =	strace $0x8000004A;
	s30 =	ssub.s32 $0x2, s5;
	s13 =	smul.u32 $0x138800, s5  }
0xa: {  	s11 =	smul.u32 $0x14000, s0;
	p0 =	seq.s32 s0, $0xF;
	s7 =	sor.u32 s0, s2  }
0xb: {  	s31 =	sshrl.u32 s30, $0x1;
	s25 =	sshrl.u32 @p0 s25, $0x3;
	s7 =	smul.u32 $0x5000, s7  }
0xc: {  	s8 =	sshrl.u32 s8, $0x2;
	s15 =	ssub.s32 s30, s31;
	s16 =	sadd.s32 s11, s13  }
0xd: {  	s17 =	sshrl.u32 s13, $0x3;
	s5 =	sadd.s32 s8, s3;
	s16 =	sshrl.u32 s16, $0x3  }
0xe: {  	s15 =	smax.u32 s15, $0x1;
	s7 =	sshrl.u32 s7, $0x3;
	s8 =	sadd.s32 $0xBB80, s5  }
0xf: {  	s9 =	sadd.s32 $0xFA00, s5;
	s10 =	sadd.s32 $0x13800, s5;
	s13 =	sadd.s32 s14, s16  }
0x10: {  	s14 =	sadd.s32 s14, s17;
	s16 =	simm.s32 $0x2800;
	s17 =	simm.s32 $0x3  }
0x11: {  	s12 =	sadd.s32 s7, s6;
	s6 =	sadd.s32 $0x3E80, s5;
	s7 =	sadd.s32 $0x7D00, s5  }
0x12: {  	v0 =	vimm.f32 $0.0e+00;
	s14 =	sadd.s32 $0x25800, s14;
	s11 =	sadd.s32 $0x2600, s12;
	s12 =	sadd.s32 $0x2B00, s12  }
.LBB2_1:
0x13: {  	s28 =	sand.u32 $0xFE00, s4  }
0x14: {  	s29 =	sand.u32 $0x70, s4;
	s30 =	sshrl.u32 s28, $0x2  }
0x15: {  	s28 =	simm.s32 $0x40;
	s30 =	sor.u32 s29, s30;
	s29 =	simm.s32 $0x0  }
.LBB2_2:
0x16: {  	p1 =	sne.s32 s28, $0xF9C0  }
0x17: {  	[tilespmem:s30+$0x2800] =	vst v0;
	s29 =	sadd.s32 $0x10, s29;
	s30 =	smov.u32 s28;
	s28 =	sadd.s32 $0x40, s28  }
.Ltmp0:
0x18: {  	(pc) =	sbr.rel @p1 .LBB2_2-.Ltmp0, $4  }
0x19: {  	_ = 	snop  }
0x1a: {  	s30 =	sand.u32 $0xFE00, s30  }
0x1b: {  	s31 =	sand.u32 $0x70, s29;
	s30 =	sshrl.u32 s30, $0x2  }
0x1c: {  	s30 =	sor.u32 s31, s30  }
0x1d: {  	[tilespmem:s30+$0x2800] =	vst v0  }
0x1e: {  	[spmem:s5] =	stream.linear.scatter [tilespmem:s16], [sflag:$0x3], $0x3E80, $0x38;
	[tilespmem:$0x1E080] =	vst v63  }
0x1f: {  	_ =	swait.ge [sflag:s17], $0x3E80  }
0x20: {  	[sflag:s17] =	ssyncset.done $0x0  }
0x21: {  	[sflag:s17] =	ssyncadd.s32 $0xFFFFC180  }
0x22: {  	[spmem:s6] =	stream.linear.scatter [tilespmem:s16], [sflag:$0x3], $0x3E80, $0x38;
	[tilespmem:$0x1E080] =	vst v63  }
0x23: {  	_ =	swait.ge [sflag:s17], $0x3E80  }
0x24: {  	[sflag:s17] =	ssyncset.done $0x0  }
0x25: {  	[sflag:s17] =	ssyncadd.s32 $0xFFFFC180  }
0x26: {  	[spmem:s7] =	stream.linear.scatter [tilespmem:s16], [sflag:$0x3], $0x3E80, $0x38;
	[tilespmem:$0x1E080] =	vst v63  }
0x27: {  	_ =	swait.ge [sflag:s17], $0x3E80  }
0x28: {  	[sflag:s17] =	ssyncset.done $0x0  }
0x29: {  	[sflag:s17] =	ssyncadd.s32 $0xFFFFC180  }
0x2a: {  	[spmem:s8] =	stream.linear.scatter [tilespmem:s16], [sflag:$0x3], $0x3E80, $0x38;
	[tilespmem:$0x1E080] =	vst v63  }
0x2b: {  	_ =	swait.ge [sflag:s17], $0x3E80  }
0x2c: {  	[sflag:s17] =	ssyncset.done $0x0  }
0x2d: {  	[sflag:s17] =	ssyncadd.s32 $0xFFFFC180  }
0x2e: {  	[spmem:s9] =	stream.linear.scatter [tilespmem:s16], [sflag:$0x3], $0x3E80, $0x38;
	[tilespmem:$0x1E080] =	vst v63  }
0x2f: {  	_ =	swait.ge [sflag:s17], $0x3E80  }
0x30: {  	[sflag:s17] =	ssyncset.done $0x0  }
0x31: {  	[sflag:s17] =	ssyncadd.s32 $0xFFFFC180  }
0x32: {  	[spmem:s10] =	stream.linear.scatter [tilespmem:s16], [sflag:$0x3], $0x800, $0x38;
	[tilespmem:$0x1E080] =	vst v63  }
0x33: {  	_ =	swait.ge [sflag:s17], $0x800  }
0x34: {  	[sflag:s17] =	ssyncset.done $0x0  }
0x35: {  	[sflag:s17] =	ssyncadd.s32 $0xFFFFF800  }
0x36: {  	[bflag:$0x0] =	sbarrier.arrive $0xFFFF  }
0x37: {  	[tilespmem:s4], [sflag:$0x3] =	stream.linear.gather [hbm4b:s11+s4], $0x2800, $0x38;
	[tilespmem:$0x1E080] =	vst v63  }
0x38: {  	_ =	swait.ge [sflag:s17], $0x2800  }
0x39: {  	[sflag:s17] =	ssyncset.done $0x0  }
0x3a: {  	[sflag:s17] =	ssyncadd.s32 $0xFFFFD800  }
0x3b: {  	[tilespmem:s16], [sflag:$0x1] =	stream.indirect.gather [hbm4b:s1+s18], $0x80, s4, s18, $0xb8;
	[tilespmem:$0x1E080] =	vst v63  }
0x3c: {  	s28 =	simm.s32 $0x80  }
0x3d: {  	[tilespmem:s19], [sflag:$0x2] =	stream.indirect.gather [hbm4b:s1+s18], $0x80, s28, s18, $0xb8;
	[tilespmem:$0x1E080] =	vst v63  }
0x3e: {  	_ =	swait.ge [sflag:s20], $0x3E80  }
0x3f: {  	[sflag:s20] =	ssyncset.done $0x0  }
0x40: {  	s28 =	simm.s32 $0x1400;
	[sflag:s20] =	ssyncadd.s32 $0xFFFFC180  }
0x41: {  	[spmem:s3] =	stream.indirect.scatter.add.f32 [tilespmem:s16], [sflag:$0x3], $0x80, s28, s18, $0xb8;
	[tilespmem:$0x1E080] =	vst v63  }
0x42: {  	_ =	swait.ge [sflag:s17], $0x3E80  }
0x43: {  	[sflag:s17] =	ssyncset.done $0x0  }
0x44: {  	s28 =	simm.s32 $0x100;
	[sflag:s17] =	ssyncadd.s32 $0xFFFFC180  }
0x45: {  	[tilespmem:s16], [sflag:$0x1] =	stream.indirect.gather [hbm4b:s1+s18], $0x80, s28, s18, $0xb8;
	[tilespmem:$0x1E080] =	vst v63  }
0x46: {  	_ =	swait.ge [sflag:s21], $0x3E80  }
0x47: {  	[sflag:s21] =	ssyncset.done $0x0  }
0x48: {  	s28 =	simm.s32 $0x1480;
	[sflag:s21] =	ssyncadd.s32 $0xFFFFC180  }
0x49: {  	[spmem:s3] =	stream.indirect.scatter.add.f32 [tilespmem:s19], [sflag:$0x3], $0x80, s28, s18, $0xb8;
	[tilespmem:$0x1E080] =	vst v63  }
0x4a: {  	_ =	swait.ge [sflag:s17], $0x3E80  }
0x4b: {  	s29 =	simm.s32 $0xC00;
	s28 =	simm.s32 $0x200;
	[sflag:s17] =	ssyncset.done $0x0  }
.LBB2_4:
0x4c: {  	s30 =	sadd.s32 $0xFFFFFF80, s28  }
0x4d: {  	[sflag:s17] =	ssyncadd.s32 $0xFFFFC180;
	s31 =	smov.u32 s29;
	s2 =	sadd.s32 $0x400, s29  }
0x4e: {  	[tilespmem:s19], [sflag:$0x2] =	stream.indirect.gather [hbm4b:s1+s18], $0x80, s30, s18, $0xb8;
	[tilespmem:$0x1E080] =	vst v63  }
0x4f: {  	p1 =	sne.s32 s29, $0x4C00;
	_ =	swait.ge [sflag:s20], $0x3E80  }
0x50: {  	[sflag:s20] =	ssyncset.done $0x0  }
0x51: {  	s29 =	sadd.s32 $0x1300, s28;
	[sflag:s20] =	ssyncadd.s32 $0xFFFFC180  }
0x52: {  	[spmem:s3] =	stream.indirect.scatter.add.f32 [tilespmem:s16], [sflag:$0x3], $0x80, s29, s18, $0xb8;
	[tilespmem:$0x1E080] =	vst v63  }
0x53: {  	_ =	swait.ge [sflag:s17], $0x3E80  }
0x54: {  	[sflag:s17] =	ssyncset.done $0x0  }
0x55: {  	[sflag:s17] =	ssyncadd.s32 $0xFFFFC180  }
0x56: {  	[tilespmem:s16], [sflag:$0x1] =	stream.indirect.gather [hbm4b:s1+s18], $0x80, s28, s18, $0xb8;
	[tilespmem:$0x1E080] =	vst v63  }
0x57: {  	_ =	swait.ge [sflag:s21], $0x3E80  }
.Ltmp1:
0x58: {  	[sflag:s21] =	ssyncset.done $0x0;
	(pc) =	sbr.rel @p1 .LBB2_4-.Ltmp1, $4  }
0x59: {  	s28 =	sadd.s32 $0x1380, s28;
	[sflag:s21] =	ssyncadd.s32 $0xFFFFC180  }
0x5a: {  	[spmem:s3] =	stream.indirect.scatter.add.f32 [tilespmem:s19], [sflag:$0x3], $0x80, s28, s18, $0xb8;
	[tilespmem:$0x1E080] =	vst v63  }
0x5b: {  	_ =	swait.ge [sflag:s17], $0x3E80  }
0x5c: {  	s29 =	smov.u32 s2;
	s28 =	sshra.s32 s31, $0x2;
	[sflag:s17] =	ssyncset.done $0x0  }
0x5d: {  	s2 =	sadd.s32 $0xFFFFFF80, s28;
	[sflag:s17] =	ssyncadd.s32 $0xFFFFC180  }
0x5e: {  	[tilespmem:s19], [sflag:$0x2] =	stream.indirect.gather [hbm4b:s1+s18], $0x80, s2, s18, $0xb8;
	[tilespmem:$0x1E080] =	vst v63  }
0x5f: {  	_ =	swait.ge [sflag:s20], $0x3E80  }
0x60: {  	[sflag:s20] =	ssyncset.done $0x0  }
0x61: {  	s30 =	sadd.s32 $0x1300, s28;
	[sflag:s20] =	ssyncadd.s32 $0xFFFFC180  }
0x62: {  	[spmem:s3] =	stream.indirect.scatter.add.f32 [tilespmem:s16], [sflag:$0x3], $0x80, s30, s18, $0xb8;
	[tilespmem:$0x1E080] =	vst v63  }
0x63: {  	_ =	swait.ge [sflag:s17], $0x3E80  }
0x64: {  	[sflag:s17] =	ssyncset.done $0x0  }
0x65: {  	[sflag:s17] =	ssyncadd.s32 $0xFFFFC180  }
0x66: {  	[tilespmem:s16], [sflag:$0x1] =	stream.indirect.gather [hbm4b:s1+s18], $0x80, s28, s18, $0xb8;
	[tilespmem:$0x1E080] =	vst v63  }
0x67: {  	_ =	swait.ge [sflag:s21], $0x3E80  }
0x68: {  	[sflag:s21] =	ssyncset.done $0x0  }
0x69: {  	s31 =	sadd.s32 $0x1380, s28;
	[sflag:s21] =	ssyncadd.s32 $0xFFFFC180  }
0x6a: {  	[spmem:s3] =	stream.indirect.scatter.add.f32 [tilespmem:s19], [sflag:$0x3], $0x80, s31, s18, $0xb8;
	[tilespmem:$0x1E080] =	vst v63  }
0x6b: {  	_ =	swait.ge [sflag:s17], $0x3E80  }
0x6c: {  	[sflag:s17] =	ssyncset.done $0x0  }
0x6d: {  	[sflag:s17] =	ssyncadd.s32 $0xFFFFC180  }
0x6e: {  	[tilespmem:s19], [sflag:$0x2] =	stream.indirect.gather [hbm4b:s1+s18], $0x80, s22, s18, $0xb8;
	[tilespmem:$0x1E080] =	vst v63  }
0x6f: {  	_ =	swait.ge [sflag:s20], $0x3E80  }
0x70: {  	[sflag:s20] =	ssyncset.done $0x0  }
0x71: {  	[sflag:s20] =	ssyncadd.s32 $0xFFFFC180  }
0x72: {  	[spmem:s3] =	stream.indirect.scatter.add.f32 [tilespmem:s16], [sflag:$0x3], $0x80, s23, s18, $0xb8;
	[tilespmem:$0x1E080] =	vst v63  }
0x73: {  	_ =	swait.ge [sflag:s17], $0x3E80  }
0x74: {  	[sflag:s17] =	ssyncset.done $0x0  }
0x75: {  	[sflag:s17] =	ssyncadd.s32 $0xFFFFC180  }
0x76: {  	_ =	swait.ge [sflag:s21], $0x3E80  }
0x77: {  	[sflag:s21] =	ssyncset.done $0x0  }
0x78: {  	[sflag:s21] =	ssyncadd.s32 $0xFFFFC180  }
0x79: {  	[spmem:s3] =	stream.indirect.scatter.add.f32 [tilespmem:s19], [sflag:$0x3], $0x80, s24, s18, $0xb8;
	[tilespmem:$0x1E080] =	vst v63  }
0x7a: {  	_ =	swait.ge [sflag:s17], $0x3E80  }
0x7b: {  	[sflag:s17] =	ssyncset.done $0x0  }
0x7c: {  	[sflag:s17] =	ssyncadd.s32 $0xFFFFC180  }
0x7d: {  	[tilespmem:s4], [sflag:$0x3] =	stream.linear.gather [hbm4b:s12+s4], $0x2800, $0x38;
	[tilespmem:$0x1E080] =	vst v63  }
0x7e: {  	_ =	swait.ge [sflag:s17], $0x2800  }
0x7f: {  	[sflag:s17] =	ssyncset.done $0x0  }
0x80: {  	[sflag:s17] =	ssyncadd.s32 $0xFFFFD800  }
0x81: {  	[tilespmem:s16], [sflag:$0x1] =	stream.indirect.gather [hbm4b:s1+s18], $0x80, s4, s18, $0xb8;
	[tilespmem:$0x1E080] =	vst v63  }
0x82: {  	s30 =	simm.s32 $0x80  }
0x83: {  	[tilespmem:s19], [sflag:$0x2] =	stream.indirect.gather [hbm4b:s1+s18], $0x80, s30, s18, $0xb8;
	[tilespmem:$0x1E080] =	vst v63  }
0x84: {  	_ =	swait.ge [sflag:s20], $0x3E80  }
0x85: {  	[sflag:s20] =	ssyncset.done $0x0  }
0x86: {  	s31 =	simm.s32 $0x1400;
	[sflag:s20] =	ssyncadd.s32 $0xFFFFC180  }
0x87: {  	[spmem:s3] =	stream.indirect.scatter.add.f32 [tilespmem:s16], [sflag:$0x3], $0x80, s31, s18, $0xb8;
	[tilespmem:$0x1E080] =	vst v63  }
0x88: {  	_ =	swait.ge [sflag:s17], $0x3E80  }
0x89: {  	[sflag:s17] =	ssyncset.done $0x0  }
0x8a: {  	s30 =	simm.s32 $0x100;
	[sflag:s17] =	ssyncadd.s32 $0xFFFFC180  }
0x8b: {  	[tilespmem:s16], [sflag:$0x1] =	stream.indirect.gather [hbm4b:s1+s18], $0x80, s30, s18, $0xb8;
	[tilespmem:$0x1E080] =	vst v63  }
0x8c: {  	_ =	swait.ge [sflag:s21], $0x3E80  }
0x8d: {  	[sflag:s21] =	ssyncset.done $0x0  }
0x8e: {  	s31 =	simm.s32 $0x1480;
	[sflag:s21] =	ssyncadd.s32 $0xFFFFC180  }
0x8f: {  	[spmem:s3] =	stream.indirect.scatter.add.f32 [tilespmem:s19], [sflag:$0x3], $0x80, s31, s18, $0xb8;
	[tilespmem:$0x1E080] =	vst v63  }
0x90: {  	_ =	swait.ge [sflag:s17], $0x3E80  }
0x91: {  	s29 =	simm.s32 $0xC00;
	s28 =	simm.s32 $0x200;
	[sflag:s17] =	ssyncset.done $0x0  }
.LBB2_6:
0x92: {  	s2 =	sadd.s32 $0xFFFFFF80, s28  }
0x93: {  	[sflag:s17] =	ssyncadd.s32 $0xFFFFC180;
	s30 =	smov.u32 s29;
	s31 =	sadd.s32 $0x400, s29  }
0x94: {  	[tilespmem:s19], [sflag:$0x2] =	stream.indirect.gather [hbm4b:s1+s18], $0x80, s2, s18, $0xb8;
	[tilespmem:$0x1E080] =	vst v63  }
0x95: {  	p1 =	sne.s32 s29, $0x4C00;
	_ =	swait.ge [sflag:s20], $0x3E80  }
0x96: {  	[sflag:s20] =	ssyncset.done $0x0  }
0x97: {  	s2 =	sadd.s32 $0x1300, s28;
	[sflag:s20] =	ssyncadd.s32 $0xFFFFC180  }
0x98: {  	[spmem:s3] =	stream.indirect.scatter.add.f32 [tilespmem:s16], [sflag:$0x3], $0x80, s2, s18, $0xb8;
	[tilespmem:$0x1E080] =	vst v63  }
0x99: {  	_ =	swait.ge [sflag:s17], $0x3E80  }
0x9a: {  	[sflag:s17] =	ssyncset.done $0x0  }
0x9b: {  	[sflag:s17] =	ssyncadd.s32 $0xFFFFC180  }
0x9c: {  	[tilespmem:s16], [sflag:$0x1] =	stream.indirect.gather [hbm4b:s1+s18], $0x80, s28, s18, $0xb8;
	[tilespmem:$0x1E080] =	vst v63  }
0x9d: {  	_ =	swait.ge [sflag:s21], $0x3E80  }
.Ltmp2:
0x9e: {  	[sflag:s21] =	ssyncset.done $0x0;
	(pc) =	sbr.rel @p1 .LBB2_6-.Ltmp2, $4  }
0x9f: {  	s2 =	sadd.s32 $0x1380, s28;
	[sflag:s21] =	ssyncadd.s32 $0xFFFFC180  }
0xa0: {  	[spmem:s3] =	stream.indirect.scatter.add.f32 [tilespmem:s19], [sflag:$0x3], $0x80, s2, s18, $0xb8;
	[tilespmem:$0x1E080] =	vst v63  }
0xa1: {  	_ =	swait.ge [sflag:s17], $0x3E80  }
0xa2: {  	s29 =	smov.u32 s31;
	s28 =	sshra.s32 s30, $0x2;
	[sflag:s17] =	ssyncset.done $0x0  }
0xa3: {  	s2 =	sadd.s32 $0xFFFFFF80, s28;
	[sflag:s17] =	ssyncadd.s32 $0xFFFFC180  }
0xa4: {  	[tilespmem:s19], [sflag:$0x2] =	stream.indirect.gather [hbm4b:s1+s18], $0x80, s2, s18, $0xb8;
	[tilespmem:$0x1E080] =	vst v63  }
0xa5: {  	_ =	swait.ge [sflag:s20], $0x3E80  }
0xa6: {  	[sflag:s20] =	ssyncset.done $0x0  }
0xa7: {  	s30 =	sadd.s32 $0x1300, s28;
	[sflag:s20] =	ssyncadd.s32 $0xFFFFC180  }
0xa8: {  	[spmem:s3] =	stream.indirect.scatter.add.f32 [tilespmem:s16], [sflag:$0x3], $0x80, s30, s18, $0xb8;
	[tilespmem:$0x1E080] =	vst v63  }
0xa9: {  	_ =	swait.ge [sflag:s17], $0x3E80  }
0xaa: {  	[sflag:s17] =	ssyncset.done $0x0  }
0xab: {  	[sflag:s17] =	ssyncadd.s32 $0xFFFFC180  }
0xac: {  	[tilespmem:s16], [sflag:$0x1] =	stream.indirect.gather [hbm4b:s1+s18], $0x80, s28, s18, $0xb8;
	[tilespmem:$0x1E080] =	vst v63  }
0xad: {  	_ =	swait.ge [sflag:s21], $0x3E80  }
0xae: {  	[sflag:s21] =	ssyncset.done $0x0  }
0xaf: {  	s31 =	sadd.s32 $0x1380, s28;
	[sflag:s21] =	ssyncadd.s32 $0xFFFFC180  }
0xb0: {  	[spmem:s3] =	stream.indirect.scatter.add.f32 [tilespmem:s19], [sflag:$0x3], $0x80, s31, s18, $0xb8;
	[tilespmem:$0x1E080] =	vst v63  }
0xb1: {  	_ =	swait.ge [sflag:s17], $0x3E80  }
0xb2: {  	[sflag:s17] =	ssyncset.done $0x0  }
0xb3: {  	[sflag:s17] =	ssyncadd.s32 $0xFFFFC180  }
0xb4: {  	[tilespmem:s19], [sflag:$0x2] =	stream.indirect.gather [hbm4b:s1+s18], $0x80, s22, s18, $0xb8;
	[tilespmem:$0x1E080] =	vst v63  }
0xb5: {  	_ =	swait.ge [sflag:s20], $0x3E80  }
0xb6: {  	[sflag:s20] =	ssyncset.done $0x0  }
0xb7: {  	[sflag:s20] =	ssyncadd.s32 $0xFFFFC180  }
0xb8: {  	[spmem:s3] =	stream.indirect.scatter.add.f32 [tilespmem:s16], [sflag:$0x3], $0x80, s23, s18, $0xb8;
	[tilespmem:$0x1E080] =	vst v63  }
0xb9: {  	_ =	swait.ge [sflag:s17], $0x3E80  }
0xba: {  	[sflag:s17] =	ssyncset.done $0x0  }
0xbb: {  	[sflag:s17] =	ssyncadd.s32 $0xFFFFC180  }
0xbc: {  	_ =	swait.ge [sflag:s21], $0x3E80  }
0xbd: {  	[sflag:s21] =	ssyncset.done $0x0  }
0xbe: {  	[sflag:s21] =	ssyncadd.s32 $0xFFFFC180  }
0xbf: {  	[spmem:s3] =	stream.indirect.scatter.add.f32 [tilespmem:s19], [sflag:$0x3], $0x80, s24, s18, $0xb8;
	[tilespmem:$0x1E080] =	vst v63  }
0xc0: {  	_ =	swait.ge [sflag:s17], $0x3E80  }
0xc1: {  	[sflag:s17] =	ssyncset.done $0x0  }
0xc2: {  	[sflag:s17] =	ssyncadd.s32 $0xFFFFC180  }
0xc3: {  	s2 =	simm.s32 @p0 $0x1FC3;
	[bflag:$0x0] =	sbarrier.arrive $0xFFFF  }
0xc4: {  	[hbm:s14], [sflag:s2] =	dma.local @p0 [spmem:s25], $0x1900  }
0xc5: {  	s2 =	simm.s32 @p0 $0x3  }
0xc6: {  	s26 =	sadd.s32 $0x1, s26;
	_ =	swait.ge @p0 [sflag:s2], $0x1900  }
0xc7: {  	p1 =	sne.s32 s26, s15;
	s28 =	sshll.u32 @!p0 s0, $0x6;
	[sflag:s2] =	ssyncset.done @p0 $0x0  }
0xc8: {  	[sflag:s2] =	ssyncadd.s32 @p0 $0xFFFFE700;
	s2 =	sor.u32 @!p0 $0x1C03, s28;
	s28 =	sshrl.u32 @!p0 s5, $0x3  }
0xc9: {  	[hbm:s13], [sflag:s2] =	dma.local @!p0 [spmem:s28], $0x2800  }
.Ltmp3:
0xca: {  	_ = 	snop;
	(pc) =	sbr.rel @p1 .LBB2_1-.Ltmp3, $4  }
0xcb: {  	s2 =	simm.s32 @!p0 $0x3  }
0xcc: {  	_ =	swait.ge @!p0 [sflag:s2], $0x2800  }
0xcd: {  	[sflag:s2] =	ssyncset.done @!p0 $0x0  }
0xce: {  	[sflag:s2] =	ssyncadd.s32 @!p0 $0xFFFFD800  }
0xcf: {  	_ =	sfence.sel $0x180000  }
0xd0: {  	[bflag:$0x0] =	sbarrier.arrive $0xFFFF  }
0xd1: {  	_ =	strace $0x9000004A  }
0xd2: {  	[bflag:$0x2] =	sbarrier.arrive $0xFFFF  }
0xd3: {  	p0 =	sne.s32 s0, $0x0;
	s0 =	rddreg [dreg:$0x3]  }
0xd4: {  	s0 =	sadd.s32 @!p0 $0x100000, s0  }
0xd5: {  	[sflag:s0] =	ssyncadd.tile.s32 @!p0 $0x1;
	_ =	shalt  }
.Lfunc_end2:
_tile_overlayer_lowered:
.L_overlay_start_2:
0xd6: {  	(tag) =	ssettag $0x2  }
0xd7: {  	s0 =	rddreg [dreg:$0x0];
	s2 =	stileid.u32  }
0xd8: {  	s1 =	rddreg [dreg:$0x1];
	p0 =	sne.s32 s2, $0x0  }
0xd9: {  	s3 =	rddreg [dreg:$0x2];
	[bflag:$0x3] =	sbarrier.arrive $0xFFFF;
	s2 =	simm.s32 @!p0 $0x1C03  }
0xda: {  	[timem:s3], [sflag:s2] =	dma.local @!p0 [hbm:s0], s1  }
0xdb: {  	s0 =	simm.s32 @!p0 $0x3  }
0xdc: {  	_ =	swait.ge @!p0 [sflag:s0], s1  }
0xdd: {  	s1 =	ssub.s32 @!p0 $0x0, s1;
	[sflag:s0] =	ssyncset.done @!p0 $0x0  }
0xde: {  	[sflag:s0] =	ssyncadd.s32 @!p0 s1  }
0xdf: {  	[bflag:$0x3] =	sbarrier.arrive $0xFFFF  }
0xe0: {  	_ =	shalt  }

</sc_bundles>
